<compile_context>
chip_gen: v7x
topology: tpu7x:2x2x1
jax: 0.10.2.dev20260603
libtpu: 0.0.44.dev20260713+nightly
codegen_flags: <defaults>
</compile_context>

<pallas_src>
import jax
import jax.numpy as jnp
from jax import lax
from jax.experimental import pallas as pl
from jax.experimental.pallas import tpu as pltpu
from jax.experimental.pallas import tpu_sc as plsc

N_NODES = 10000
N_EDGES = 320000
D_IN = 128
HIDDEN = 256
N_TYPES = 100

NC = 2
NS = 16
NW = NC * NS
NPAD = 10240
PAD_ROW = N_NODES
CHUNK = 128
CHS = 40
NSUP = 2
CH = CHS * NSUP
EPW = CH * CHUNK
EPAD = NW * EPW
ROWS_PER_SUB = NPAD // NS



def _deg_body(dst_hbm, out_hbm, dst_v, deg_v):
    c = lax.axis_index("c")
    s = lax.axis_index("s")
    wid = s * NC + c
    zeros = jnp.zeros((16,), jnp.float32)

    def zero_body(i, carry):
        deg_v[pl.ds(i * 16, 16)] = zeros
        return carry

    lax.fori_loop(0, NPAD // 16, zero_body, 0)
    pltpu.sync_copy(dst_hbm.at[wid], dst_v)
    ones = jnp.ones((16,), jnp.float32)

    def add_body(i, carry):
        idx = dst_v[pl.ds(i * 16, 16)]
        plsc.addupdate_scatter(deg_v, [idx], ones)
        return carry

    lax.fori_loop(0, EPW // 16, add_body, 0)
    pltpu.sync_copy(deg_v, out_hbm.at[wid])


_deg_call = pl.kernel(
    _deg_body,
    out_type=jax.ShapeDtypeStruct((NW, NPAD), jnp.float32),
    mesh=plsc.VectorSubcoreMesh(
        core_axis_name="c", subcore_axis_name="s", num_cores=NC, num_subcores=NS
    ),
    scratch_types=[
        pltpu.VMEM((EPW,), jnp.int32),
        pltpu.VMEM((NPAD,), jnp.float32),
    ],
    compiler_params=pltpu.CompilerParams(needs_layout_passes=False),
)



def _disy_body(degs_ref, x_ref, y_ref, dis_ref):
    deg = jnp.sum(degs_ref[...], axis=0) + 1.0
    dis = lax.rsqrt(deg)
    dis_ref[...] = dis[:, None]
    y_ref[pl.ds(0, N_NODES), :] = x_ref[...] * dis[:N_NODES, None]
    y_ref[pl.ds(N_NODES, NPAD - N_NODES), :] = jnp.zeros(
        (NPAD - N_NODES, D_IN), jnp.float32)


def _disy_call(degs, x_p):
    return pl.pallas_call(
        _disy_body,
        out_shape=[
            jax.ShapeDtypeStruct((NPAD, D_IN), jnp.float32),
            jax.ShapeDtypeStruct((NPAD, 1), jnp.float32),
        ],
    )(degs, x_p)



def _edge_body(y_hbm, src_hbm, dst_hbm, z_hbm, out_hbm,
               acc_sh, src_slab, dst_slab, rows0, rows1,
               semG0, semG1, semS0, semS1):
    c = lax.axis_index("c")
    s = lax.axis_index("s")
    wid = s * NC + c
    sub0 = s * ROWS_PER_SUB

    pltpu.sync_copy(z_hbm.at[pl.ds(sub0, ROWS_PER_SUB)],
                    acc_sh.at[pl.ds(sub0, ROWS_PER_SUB)])
    plsc.subcore_barrier()

    def super_body(sc, carry):
        pltpu.sync_copy(src_hbm.at[wid, pl.ds(sc * CHS, CHS)], src_slab)
        pltpu.sync_copy(dst_hbm.at[wid, pl.ds(sc * CHS, CHS)], dst_slab)
        pltpu.async_copy(y_hbm.at[src_slab.at[0]], rows0, semG0)

        def pair_body(g, carry2):
            j = 2 * g
            pltpu.async_copy(y_hbm.at[src_slab.at[j + 1]], rows1, semG1)
            pltpu.make_async_copy(y_hbm.at[src_slab.at[j]], rows0, semG0).wait()
            pltpu.sync_copy(rows0, acc_sh.at[dst_slab.at[j]], add=True)
            pltpu.async_copy(y_hbm.at[src_slab.at[j + 2]], rows0, semG0)
            pltpu.make_async_copy(
                y_hbm.at[src_slab.at[j + 1]], rows1, semG1).wait()
            pltpu.sync_copy(rows1, acc_sh.at[dst_slab.at[j + 1]], add=True)
            return carry2

        lax.fori_loop(0, CHS // 2 - 1, pair_body, 0)
        pltpu.async_copy(y_hbm.at[src_slab.at[CHS - 1]], rows1, semG1)
        pltpu.make_async_copy(y_hbm.at[src_slab.at[CHS - 2]], rows0, semG0).wait()
        pltpu.sync_copy(rows0, acc_sh.at[dst_slab.at[CHS - 2]], add=True)
        pltpu.make_async_copy(y_hbm.at[src_slab.at[CHS - 1]], rows1, semG1).wait()
        pltpu.sync_copy(rows1, acc_sh.at[dst_slab.at[CHS - 1]], add=True)
        return carry

    lax.fori_loop(0, NSUP, super_body, 0)
    plsc.subcore_barrier()
    pltpu.sync_copy(acc_sh.at[pl.ds(sub0, ROWS_PER_SUB)],
                    out_hbm.at[c, pl.ds(sub0, ROWS_PER_SUB)])


_edge_call = pl.kernel(
    _edge_body,
    out_type=jax.ShapeDtypeStruct((NC, NPAD, D_IN), jnp.float32),
    mesh=plsc.VectorSubcoreMesh(
        core_axis_name="c", subcore_axis_name="s", num_cores=NC, num_subcores=NS
    ),
    scratch_types=[
        pltpu.VMEM_SHARED((NPAD, D_IN), jnp.float32),
        pltpu.VMEM((CHS, CHUNK), jnp.int32),
        pltpu.VMEM((CHS, CHUNK), jnp.int32),
        pltpu.VMEM((CHUNK, D_IN), jnp.float32),
        pltpu.VMEM((CHUNK, D_IN), jnp.float32),
        pltpu.SemaphoreType.DMA,
        pltpu.SemaphoreType.DMA,
        pltpu.SemaphoreType.DMA,
        pltpu.SemaphoreType.DMA,
    ],
    compiler_params=pltpu.CompilerParams(needs_layout_passes=False),
)



def _final_body(acc_ref, y_ref, dis_ref, ct_ref, w_ref, b_ref, out_ref):
    agg = acc_ref[0] + acc_ref[1] + y_ref[...]
    outv = agg * dis_ref[...]
    h = jnp.dot(outv, w_ref[...], preferred_element_type=jnp.float32) + b_ref[...]
    h = jnp.maximum(h, 0.0)
    tids = lax.broadcasted_iota(jnp.int32, (NPAD, 128), 1)
    onehot = (ct_ref[...] == tids).astype(jnp.float32)
    sums = jnp.dot(onehot.T, h, preferred_element_type=jnp.float32)
    counts = jnp.sum(onehot, axis=0)
    out_ref[...] = sums / jnp.maximum(counts, 1.0)[:, None]


def _final_call(accs, y, dis, ct_p, W_cell, b2):
    return pl.pallas_call(
        _final_body,
        out_shape=jax.ShapeDtypeStruct((128, HIDDEN), jnp.float32),
    )(accs, y, dis, ct_p, W_cell, b2)



def kernel(x, edge_index, cell_type_batch, W_cell, b_cell):
    pad_e = EPAD - N_EDGES
    src = edge_index[0]
    dst = edge_index[1]
    pad_idx = PAD_ROW + (jnp.arange(pad_e, dtype=jnp.int32) % (NPAD - N_NODES))
    src_p = jnp.concatenate([src, pad_idx]).reshape(NW, CH, CHUNK)
    dst_p = jnp.concatenate([dst, pad_idx]).reshape(NW, CH, CHUNK)
    dst_flat = dst_p.reshape(NW, EPW)
    ct_p = jnp.concatenate(
        [cell_type_batch,
         jnp.full((NPAD - N_NODES,), 127, jnp.int32)])[:, None]
    zeros_hbm = jnp.zeros((NPAD, D_IN), jnp.float32)

    degs = _deg_call(dst_flat)
    y, dis = _disy_call(degs, x)
    accs = _edge_call(y, src_p, dst_p, zeros_hbm)
    pooled = _final_call(accs, y, dis, ct_p, W_cell, b_cell[None, :])
    return pooled[:N_TYPES]

# --- scband reference (transcript-rebuilt; emitter-appended) ---
"""Pipeline reference for scband-hierarchical-gnn-84172769067901 (READ-ONLY COPY).

The authoritative reference and input builder live on the scoring server;
editing this copy changes nothing except your own understanding.
"""

import jax, jax.numpy as jnp
import numpy as np

N_NODES = 10000
N_EDGES = 320000
D_IN = 128
HIDDEN = 256
N_TYPES = 100


def gcn_conv(x, edge_index, W, b, num_nodes):
    # GCNConv with symmetric normalization and self-loops:
    # out = D^{-1/2} (A + I) D^{-1/2} X W + b
    src = edge_index[0]
    dst = edge_index[1]
    loop = jnp.arange(num_nodes, dtype=src.dtype)
    src = jnp.concatenate([src, loop])
    dst = jnp.concatenate([dst, loop])
    xw = x @ W
    deg = jnp.zeros((num_nodes,), dtype=x.dtype).at[dst].add(1.0)
    deg_inv_sqrt = jnp.where(deg > 0, 1.0 / jnp.sqrt(deg), 0.0)
    norm = deg_inv_sqrt[src] * deg_inv_sqrt[dst]
    msg = xw[src] * norm[:, None]
    out = jnp.zeros((num_nodes, xw.shape[1]), dtype=x.dtype).at[dst].add(msg)
    return out + b


def setup_inputs(seed: int = 0) -> dict:
    key = jax.random.key(seed)
    k1, k2, k3, k4 = jax.random.split(key, 4)
    x = jax.random.normal(k1, (N_NODES, D_IN), dtype=jnp.float32)
    edge_index = jax.random.randint(k2, (2, N_EDGES), 0, N_NODES).astype(jnp.int32)
    cell_type_batch = jnp.sort(jax.random.randint(k3, (N_NODES,), 0, N_TYPES).astype(jnp.int32))
    W_cell = jax.random.normal(k4, (D_IN, HIDDEN), dtype=jnp.float32) * (1.0 / np.sqrt(D_IN))
    b_cell = jnp.zeros((HIDDEN,), dtype=jnp.float32)
    return {"x": x, "edge_index": edge_index, "cell_type_batch": cell_type_batch, "W_cell": W_cell, "b_cell": b_cell}


def reference(x, edge_index, cell_type_batch, W_cell, b_cell):
    h = gcn_conv(x, edge_index, W_cell, b_cell, N_NODES)
    h = jax.nn.relu(h)
    # global_mean_pool over cell_type_batch (pooling == 'mean')
    sums = jax.ops.segment_sum(h, cell_type_batch, num_segments=N_TYPES)
    counts = jax.ops.segment_sum(jnp.ones((h.shape[0],), dtype=h.dtype), cell_type_batch, num_segments=N_TYPES)
    pooled = sums / jnp.clip(counts, 1.0)[:, None]
    return pooled

if __name__ == "__main__":
    import jax
    _d = setup_inputs()
    print(jax.jit(kernel)(*tuple(_d.values())))

</pallas_src>

<mosaic_0001>
#map = affine_map<(d0, d1) -> (0, 0)>
module attributes {stable_mosaic.version = 14 : i64} {
  func.func @_deg_body(%arg0: i32, %arg1: i32, %arg2: memref<32x10240xi32, #tpu.memory_space<hbm>>, %arg3: memref<32x10240xf32, #tpu.memory_space<hbm>>, %arg4: memref<10240xi32, #tpu.memory_space<vmem>>, %arg5: memref<10240xf32, #tpu.memory_space<vmem>>) attributes {dimension_semantics = [#tpu.dimension_semantics<core_parallel>, #tpu.dimension_semantics<subcore_parallel>], iteration_bounds = array<i64: 2, 16>, scalar_prefetch = 0 : i64, scratch_operands = 2 : i64, tpu.core_type = #tpu.core_type<sc_vector_subcore>, window_params = [{transform_indices = #map}, {transform_indices = #map}]} {
    %mul3A = arith.constant 2 : i32
    %mul3A_0 = arith.muli %arg1, %mul3A : i32
    %add3A = arith.addi %mul3A_0, %arg0 : i32
    %broadcast_in_dim3A = arith.constant 0.000000e+00 : f32
    %broadcast_in_dim3A_1 = vector.broadcast %broadcast_in_dim3A : f32 to vector<16xf32>
    %scan3A = arith.constant 0 : i32
    %scan3A_2 = arith.constant 0 : i32
    %scan3A_3 = arith.constant 640 : i32
    %scan3A_4 = arith.addi %scan3A_2, %scan3A_3 : i32
    %scan3A_5 = arith.constant 1 : i32
    scf.for %scan3A_15 = %scan3A_2 to %scan3A_4 step %scan3A_5  : i32 {
      %mul3A_16 = arith.constant 16 : i32
      %mul3A_17 = arith.muli %scan3A_15, %mul3A_16 : i32
      %swap3A = arith.index_cast %mul3A_17 : i32 to index
      %swap3A_18 = tpu.vector_load %arg5[%swap3A] {strides = array<i32>} : memref<10240xf32, #tpu.memory_space<vmem>>, vector<16xf32>,
      tpu.vector_store %arg5[%swap3A], %broadcast_in_dim3A_1 {strides = array<i32>} : memref<10240xf32, #tpu.memory_space<vmem>>, vector<16xf32>,
    }
    %scan3A_6 = arith.constant 640 : i32
    "tpu.region"() ({
      %run_scoped3A = tpu.sem_alloc : memref<!tpu.dma_semaphore, #tpu.memory_space<semaphore_mem>>
      %dma_start3A = arith.constant 0 : i32
      %dma_start3A_15 = tpu.memref_slice %arg2[%add3A, %dma_start3A] : memref<32x10240xi32, #tpu.memory_space<hbm>> -> memref<1x10240xi32, #tpu.memory_space<hbm>>
      %dma_start3A_16 = tpu.memref_squeeze %dma_start3A_15 : memref<1x10240xi32, #tpu.memory_space<hbm>> -> memref<10240xi32, #tpu.memory_space<hbm>>
      %dma_start3A_17 = arith.constant 0 : i32
      %dma_start3A_18 = tpu.memref_slice %arg2[%add3A, %dma_start3A_17] : memref<32x10240xi32, #tpu.memory_space<hbm>> -> memref<1x10240xi32, #tpu.memory_space<hbm>>
      %dma_start3A_19 = tpu.memref_squeeze %dma_start3A_18 : memref<1x10240xi32, #tpu.memory_space<hbm>> -> memref<10240xi32, #tpu.memory_space<hbm>>
      tpu.enqueue_dma source(%dma_start3A_19 : memref<10240xi32, #tpu.memory_space<hbm>>) target(%arg4 : memref<10240xi32, #tpu.memory_space<vmem>>) target_semaphore(%run_scoped3A : memref<!tpu.dma_semaphore, #tpu.memory_space<semaphore_mem>>)
      %dma_wait3A = arith.constant 0 : i32
      %dma_wait3A_20 = tpu.memref_slice %arg2[%add3A, %dma_wait3A] : memref<32x10240xi32, #tpu.memory_space<hbm>> -> memref<1x10240xi32, #tpu.memory_space<hbm>>
      %dma_wait3A_21 = tpu.memref_squeeze %dma_wait3A_20 : memref<1x10240xi32, #tpu.memory_space<hbm>> -> memref<10240xi32, #tpu.memory_space<hbm>>
      %dma_wait3A_22 = arith.constant 0 : i32
      %dma_wait3A_23 = tpu.memref_slice %arg2[%add3A, %dma_wait3A_22] : memref<32x10240xi32, #tpu.memory_space<hbm>> -> memref<1x10240xi32, #tpu.memory_space<hbm>>
      %dma_wait3A_24 = tpu.memref_squeeze %dma_wait3A_23 : memref<1x10240xi32, #tpu.memory_space<hbm>> -> memref<10240xi32, #tpu.memory_space<hbm>>
      tpu.wait_dma2 semaphore(%run_scoped3A : memref<!tpu.dma_semaphore, #tpu.memory_space<semaphore_mem>>) src(%dma_wait3A_24 : memref<10240xi32, #tpu.memory_space<hbm>>) dst(%arg4 : memref<10240xi32, #tpu.memory_space<vmem>>)
      tpu.yield
    }) : () -> ()
    %broadcast_in_dim3A_7 = arith.constant 1.000000e+00 : f32
    %broadcast_in_dim3A_8 = vector.broadcast %broadcast_in_dim3A_7 : f32 to vector<16xf32>
    %scan3A_9 = arith.constant 0 : i32
    %scan3A_10 = arith.constant 0 : i32
    %scan3A_11 = arith.constant 640 : i32
    %scan3A_12 = arith.addi %scan3A_10, %scan3A_11 : i32
    %scan3A_13 = arith.constant 1 : i32
    scf.for %scan3A_15 = %scan3A_10 to %scan3A_12 step %scan3A_13  : i32 {
      %mul3A_16 = arith.constant 16 : i32
      %mul3A_17 = arith.muli %scan3A_15, %mul3A_16 : i32
      %get3A = arith.index_cast %mul3A_17 : i32 to index
      %get3A_18 = tpu.vector_load %arg4[%get3A] {strides = array<i32>} : memref<10240xi32, #tpu.memory_space<vmem>>, vector<16xi32>,
      tpu.vector_store_idx %arg5[%get3A_18], %broadcast_in_dim3A_8 {add = true} : memref<10240xf32, #tpu.memory_space<vmem>>[vector<16xi32>], vector<16xf32>,
    }
    %scan3A_14 = arith.constant 640 : i32
    "tpu.region"() ({
      %run_scoped3A = tpu.sem_alloc : memref<!tpu.dma_semaphore, #tpu.memory_space<semaphore_mem>>
      %dma_start3A = arith.constant 0 : i32
      %dma_start3A_15 = tpu.memref_slice %arg3[%add3A, %dma_start3A] : memref<32x10240xf32, #tpu.memory_space<hbm>> -> memref<1x10240xf32, #tpu.memory_space<hbm>>
      %dma_start3A_16 = tpu.memref_squeeze %dma_start3A_15 : memref<1x10240xf32, #tpu.memory_space<hbm>> -> memref<10240xf32, #tpu.memory_space<hbm>>
      %dma_start3A_17 = arith.constant 0 : i32
      %dma_start3A_18 = tpu.memref_slice %arg3[%add3A, %dma_start3A_17] : memref<32x10240xf32, #tpu.memory_space<hbm>> -> memref<1x10240xf32, #tpu.memory_space<hbm>>
      %dma_start3A_19 = tpu.memref_squeeze %dma_start3A_18 : memref<1x10240xf32, #tpu.memory_space<hbm>> -> memref<10240xf32, #tpu.memory_space<hbm>>
      tpu.enqueue_dma source(%arg5 : memref<10240xf32, #tpu.memory_space<vmem>>) target(%dma_start3A_19 : memref<10240xf32, #tpu.memory_space<hbm>>) target_semaphore(%run_scoped3A : memref<!tpu.dma_semaphore, #tpu.memory_space<semaphore_mem>>)
      %dma_wait3A = arith.constant 0 : i32
      %dma_wait3A_20 = tpu.memref_slice %arg3[%add3A, %dma_wait3A] : memref<32x10240xf32, #tpu.memory_space<hbm>> -> memref<1x10240xf32, #tpu.memory_space<hbm>>
      %dma_wait3A_21 = tpu.memref_squeeze %dma_wait3A_20 : memref<1x10240xf32, #tpu.memory_space<hbm>> -> memref<10240xf32, #tpu.memory_space<hbm>>
      %dma_wait3A_22 = arith.constant 0 : i32
      %dma_wait3A_23 = tpu.memref_slice %arg3[%add3A, %dma_wait3A_22] : memref<32x10240xf32, #tpu.memory_space<hbm>> -> memref<1x10240xf32, #tpu.memory_space<hbm>>
      %dma_wait3A_24 = tpu.memref_squeeze %dma_wait3A_23 : memref<1x10240xf32, #tpu.memory_space<hbm>> -> memref<10240xf32, #tpu.memory_space<hbm>>
      tpu.wait_dma2 semaphore(%run_scoped3A : memref<!tpu.dma_semaphore, #tpu.memory_space<semaphore_mem>>) src(%arg5 : memref<10240xf32, #tpu.memory_space<vmem>>) dst(%dma_wait3A_24 : memref<10240xf32, #tpu.memory_space<hbm>>)
      tpu.yield
    }) : () -> ()
    return
  }
}

#map = affine_map<(d0, d1) -> (0, 0)>
#map1 = affine_map<(d0, d1) -> (0, 0, 0)>
module attributes {stable_mosaic.version = 14 : i64} {
  func.func @_edge_body(%arg0: i32, %arg1: i32, %arg2: memref<10240x128xf32, #tpu.memory_space<hbm>>, %arg3: memref<32x80x128xi32, #tpu.memory_space<hbm>>, %arg4: memref<32x80x128xi32, #tpu.memory_space<hbm>>, %arg5: memref<10240x128xf32, #tpu.memory_space<hbm>>, %arg6: memref<2x10240x128xf32, #tpu.memory_space<hbm>>, %arg7: memref<10240x128xf32, #tpu.memory_space<vmem_shared>>, %arg8: memref<40x128xi32, #tpu.memory_space<vmem>>, %arg9: memref<40x128xi32, #tpu.memory_space<vmem>>, %arg10: memref<128x128xf32, #tpu.memory_space<vmem>>, %arg11: memref<128x128xf32, #tpu.memory_space<vmem>>, %arg12: memref<!tpu.dma_semaphore, #tpu.memory_space<semaphore_mem>>, %arg13: memref<!tpu.dma_semaphore, #tpu.memory_space<semaphore_mem>>, %arg14: memref<!tpu.dma_semaphore, #tpu.memory_space<semaphore_mem>>, %arg15: memref<!tpu.dma_semaphore, #tpu.memory_space<semaphore_mem>>) attributes {dimension_semantics = [#tpu.dimension_semantics<core_parallel>, #tpu.dimension_semantics<subcore_parallel>], iteration_bounds = array<i64: 2, 16>, scalar_prefetch = 0 : i64, scratch_operands = 9 : i64, tpu.core_type = #tpu.core_type<sc_vector_subcore>, window_params = [{transform_indices = #map}, {transform_indices = #map1}, {transform_indices = #map1}, {transform_indices = #map}, {transform_indices = #map1}]} {
    %mul3A = arith.constant 2 : i32
    %mul3A_0 = arith.muli %arg1, %mul3A : i32
    %add3A = arith.addi %mul3A_0, %arg0 : i32
    %mul3A_1 = arith.constant 640 : i32
    %mul3A_2 = arith.muli %arg1, %mul3A_1 : i32
    "tpu.region"() ({
      %run_scoped3A = tpu.sem_alloc : memref<!tpu.dma_semaphore, #tpu.memory_space<semaphore_mem>>
      %dma_start3A = arith.constant 0 : i32
      %dma_start3A_9 = tpu.memref_slice %arg7[%mul3A_2, %dma_start3A] : memref<10240x128xf32, #tpu.memory_space<vmem_shared>> -> memref<640x128xf32, #tpu.memory_space<vmem_shared>>
      %dma_start3A_10 = arith.constant 0 : i32
      %dma_start3A_11 = tpu.memref_slice %arg5[%mul3A_2, %dma_start3A_10] : memref<10240x128xf32, #tpu.memory_space<hbm>> -> memref<640x128xf32, #tpu.memory_space<hbm>>
      tpu.enqueue_dma source(%dma_start3A_11 : memref<640x128xf32, #tpu.memory_space<hbm>>) target(%dma_start3A_9 : memref<640x128xf32, #tpu.memory_space<vmem_shared>>) target_semaphore(%run_scoped3A : memref<!tpu.dma_semaphore, #tpu.memory_space<semaphore_mem>>)
      %dma_wait3A = arith.constant 0 : i32
      %dma_wait3A_12 = tpu.memref_slice %arg7[%mul3A_2, %dma_wait3A] : memref<10240x128xf32, #tpu.memory_space<vmem_shared>> -> memref<640x128xf32, #tpu.memory_space<vmem_shared>>
      %dma_wait3A_13 = arith.constant 0 : i32
      %dma_wait3A_14 = tpu.memref_slice %arg5[%mul3A_2, %dma_wait3A_13] : memref<10240x128xf32, #tpu.memory_space<hbm>> -> memref<640x128xf32, #tpu.memory_space<hbm>>
      tpu.wait_dma2 semaphore(%run_scoped3A : memref<!tpu.dma_semaphore, #tpu.memory_space<semaphore_mem>>) src(%dma_wait3A_14 : memref<640x128xf32, #tpu.memory_space<hbm>>) dst(%dma_wait3A_12 : memref<640x128xf32, #tpu.memory_space<vmem_shared>>)
      tpu.yield
    }) : () -> ()
    %barrier3A = arith.constant 0 : index
    tpu.barrier barrier_id(%barrier3A)
    %scan3A = arith.constant 0 : i32
    %scan3A_3 = arith.constant 0 : i32
    %scan3A_4 = arith.constant 2 : i32
    %scan3A_5 = arith.addi %scan3A_3, %scan3A_4 : i32
    %scan3A_6 = arith.constant 1 : i32
    scf.for %scan3A_9 = %scan3A_3 to %scan3A_5 step %scan3A_6  : i32 {
      %mul3A_10 = arith.constant 40 : i32
      %mul3A_11 = arith.muli %scan3A_9, %mul3A_10 : i32
      "tpu.region"() ({
        %run_scoped3A_47 = tpu.sem_alloc : memref<!tpu.dma_semaphore, #tpu.memory_space<semaphore_mem>>
        %dma_start3A_48 = arith.constant 0 : i32
        %dma_start3A_49 = tpu.memref_slice %arg3[%add3A, %mul3A_11, %dma_start3A_48] : memref<32x80x128xi32, #tpu.memory_space<hbm>> -> memref<1x40x128xi32, #tpu.memory_space<hbm>>
        %dma_start3A_50 = tpu.memref_squeeze %dma_start3A_49 : memref<1x40x128xi32, #tpu.memory_space<hbm>> -> memref<40x128xi32, #tpu.memory_space<hbm>>
        %dma_start3A_51 = arith.constant 0 : i32
        %dma_start3A_52 = tpu.memref_slice %arg3[%add3A, %mul3A_11, %dma_start3A_51] : memref<32x80x128xi32, #tpu.memory_space<hbm>> -> memref<1x40x128xi32, #tpu.memory_space<hbm>>
        %dma_start3A_53 = tpu.memref_squeeze %dma_start3A_52 : memref<1x40x128xi32, #tpu.memory_space<hbm>> -> memref<40x128xi32, #tpu.memory_space<hbm>>
        tpu.enqueue_dma source(%dma_start3A_53 : memref<40x128xi32, #tpu.memory_space<hbm>>) target(%arg8 : memref<40x128xi32, #tpu.memory_space<vmem>>) target_semaphore(%run_scoped3A_47 : memref<!tpu.dma_semaphore, #tpu.memory_space<semaphore_mem>>)
        %dma_wait3A_54 = arith.constant 0 : i32
        %dma_wait3A_55 = tpu.memref_slice %arg3[%add3A, %mul3A_11, %dma_wait3A_54] : memref<32x80x128xi32, #tpu.memory_space<hbm>> -> memref<1x40x128xi32, #tpu.memory_space<hbm>>
        %dma_wait3A_56 = tpu.memref_squeeze %dma_wait3A_55 : memref<1x40x128xi32, #tpu.memory_space<hbm>> -> memref<40x128xi32, #tpu.memory_space<hbm>>
        %dma_wait3A_57 = arith.constant 0 : i32
        %dma_wait3A_58 = tpu.memref_slice %arg3[%add3A, %mul3A_11, %dma_wait3A_57] : memref<32x80x128xi32, #tpu.memory_space<hbm>> -> memref<1x40x128xi32, #tpu.memory_space<hbm>>
        %dma_wait3A_59 = tpu.memref_squeeze %dma_wait3A_58 : memref<1x40x128xi32, #tpu.memory_space<hbm>> -> memref<40x128xi32, #tpu.memory_space<hbm>>
        tpu.wait_dma2 semaphore(%run_scoped3A_47 : memref<!tpu.dma_semaphore, #tpu.memory_space<semaphore_mem>>) src(%dma_wait3A_59 : memref<40x128xi32, #tpu.memory_space<hbm>>) dst(%arg8 : memref<40x128xi32, #tpu.memory_space<vmem>>)
        tpu.yield
      }) : () -> ()
      %mul3A_12 = arith.constant 40 : i32
      %mul3A_13 = arith.muli %scan3A_9, %mul3A_12 : i32
      "tpu.region"() ({
        %run_scoped3A_47 = tpu.sem_alloc : memref<!tpu.dma_semaphore, #tpu.memory_space<semaphore_mem>>
        %dma_start3A_48 = arith.constant 0 : i32
        %dma_start3A_49 = tpu.memref_slice %arg4[%add3A, %mul3A_13, %dma_start3A_48] : memref<32x80x128xi32, #tpu.memory_space<hbm>> -> memref<1x40x128xi32, #tpu.memory_space<hbm>>
        %dma_start3A_50 = tpu.memref_squeeze %dma_start3A_49 : memref<1x40x128xi32, #tpu.memory_space<hbm>> -> memref<40x128xi32, #tpu.memory_space<hbm>>
        %dma_start3A_51 = arith.constant 0 : i32
        %dma_start3A_52 = tpu.memref_slice %arg4[%add3A, %mul3A_13, %dma_start3A_51] : memref<32x80x128xi32, #tpu.memory_space<hbm>> -> memref<1x40x128xi32, #tpu.memory_space<hbm>>
        %dma_start3A_53 = tpu.memref_squeeze %dma_start3A_52 : memref<1x40x128xi32, #tpu.memory_space<hbm>> -> memref<40x128xi32, #tpu.memory_space<hbm>>
        tpu.enqueue_dma source(%dma_start3A_53 : memref<40x128xi32, #tpu.memory_space<hbm>>) target(%arg9 : memref<40x128xi32, #tpu.memory_space<vmem>>) target_semaphore(%run_scoped3A_47 : memref<!tpu.dma_semaphore, #tpu.memory_space<semaphore_mem>>)
        %dma_wait3A_54 = arith.constant 0 : i32
        %dma_wait3A_55 = tpu.memref_slice %arg4[%add3A, %mul3A_13, %dma_wait3A_54] : memref<32x80x128xi32, #tpu.memory_space<hbm>> -> memref<1x40x128xi32, #tpu.memory_space<hbm>>
        %dma_wait3A_56 = tpu.memref_squeeze %dma_wait3A_55 : memref<1x40x128xi32, #tpu.memory_space<hbm>> -> memref<40x128xi32, #tpu.memory_space<hbm>>
        %dma_wait3A_57 = arith.constant 0 : i32
        %dma_wait3A_58 = tpu.memref_slice %arg4[%add3A, %mul3A_13, %dma_wait3A_57] : memref<32x80x128xi32, #tpu.memory_space<hbm>> -> memref<1x40x128xi32, #tpu.memory_space<hbm>>
        %dma_wait3A_59 = tpu.memref_squeeze %dma_wait3A_58 : memref<1x40x128xi32, #tpu.memory_space<hbm>> -> memref<40x128xi32, #tpu.memory_space<hbm>>
        tpu.wait_dma2 semaphore(%run_scoped3A_47 : memref<!tpu.dma_semaphore, #tpu.memory_space<semaphore_mem>>) src(%dma_wait3A_59 : memref<40x128xi32, #tpu.memory_space<hbm>>) dst(%arg9 : memref<40x128xi32, #tpu.memory_space<vmem>>)
        tpu.yield
      }) : () -> ()
      %dma_start3A = arith.constant 0 : i32
      %dma_start3A_14 = arith.constant 0 : i32
      %dma_start3A_15 = tpu.memref_slice %arg8[%dma_start3A, %dma_start3A_14] : memref<40x128xi32, #tpu.memory_space<vmem>> -> memref<1x128xi32, #tpu.memory_space<vmem>>
      %dma_start3A_16 = tpu.memref_squeeze %dma_start3A_15 : memref<1x128xi32, #tpu.memory_space<vmem>> -> memref<128xi32, #tpu.memory_space<vmem>>
      %dma_start3A_17 = arith.constant 0 : i32
      %dma_start3A_18 = arith.constant 0 : i32
      %dma_start3A_19 = tpu.memref_slice %arg2[%dma_start3A_17, %dma_start3A_18] : memref<10240x128xf32, #tpu.memory_space<hbm>> -> memref<10240x128xf32, #tpu.memory_space<hbm>>
      tpu.enqueue_indirect_dma source(%dma_start3A_19 : memref<10240x128xf32, #tpu.memory_space<hbm>>) target(%arg10 : memref<128x128xf32, #tpu.memory_space<vmem>>) offsets(%dma_start3A_16 : memref<128xi32, #tpu.memory_space<vmem>>) semaphore(%arg12 : memref<!tpu.dma_semaphore, #tpu.memory_space<semaphore_mem>>)
      %scan3A_20 = arith.constant 0 : i32
      %scan3A_21 = arith.constant 0 : i32
      %scan3A_22 = arith.constant 19 : i32
      %scan3A_23 = arith.addi %scan3A_21, %scan3A_22 : i32
      %scan3A_24 = arith.constant 1 : i32
      scf.for %scan3A_47 = %scan3A_21 to %scan3A_23 step %scan3A_24  : i32 {
        %mul3A_48 = arith.constant 2 : i32
        %mul3A_49 = arith.muli %mul3A_48, %scan3A_47 : i32
        %add3A_50 = arith.constant 1 : i32
        %add3A_51 = arith.addi %mul3A_49, %add3A_50 : i32
        %dma_start3A_52 = arith.constant 0 : i32
        %dma_start3A_53 = tpu.memref_slice %arg8[%add3A_51, %dma_start3A_52] : memref<40x128xi32, #tpu.memory_space<vmem>> -> memref<1x128xi32, #tpu.memory_space<vmem>>
        %dma_start3A_54 = tpu.memref_squeeze %dma_start3A_53 : memref<1x128xi32, #tpu.memory_space<vmem>> -> memref<128xi32, #tpu.memory_space<vmem>>
        %dma_start3A_55 = arith.constant 0 : i32
        %dma_start3A_56 = arith.constant 0 : i32
        %dma_start3A_57 = tpu.memref_slice %arg2[%dma_start3A_55, %dma_start3A_56] : memref<10240x128xf32, #tpu.memory_space<hbm>> -> memref<10240x128xf32, #tpu.memory_space<hbm>>
        tpu.enqueue_indirect_dma source(%dma_start3A_57 : memref<10240x128xf32, #tpu.memory_space<hbm>>) target(%arg11 : memref<128x128xf32, #tpu.memory_space<vmem>>) offsets(%dma_start3A_54 : memref<128xi32, #tpu.memory_space<vmem>>) semaphore(%arg13 : memref<!tpu.dma_semaphore, #tpu.memory_space<semaphore_mem>>)
        %dma_wait3A_58 = arith.constant 0 : i32
        %dma_wait3A_59 = tpu.memref_slice %arg8[%mul3A_49, %dma_wait3A_58] : memref<40x128xi32, #tpu.memory_space<vmem>> -> memref<1x128xi32, #tpu.memory_space<vmem>>
        %dma_wait3A_60 = tpu.memref_squeeze %dma_wait3A_59 : memref<1x128xi32, #tpu.memory_space<vmem>> -> memref<128xi32, #tpu.memory_space<vmem>>
        %dma_wait3A_61 = arith.constant 0 : i32
        %dma_wait3A_62 = arith.constant 0 : i32
        %dma_wait3A_63 = tpu.memref_slice %arg2[%dma_wait3A_61, %dma_wait3A_62] : memref<10240x128xf32, #tpu.memory_space<hbm>> -> memref<10240x128xf32, #tpu.memory_space<hbm>>
        tpu.wait_indirect_dma semaphore(%arg12 : memref<!tpu.dma_semaphore, #tpu.memory_space<semaphore_mem>>) src(%dma_wait3A_63 : memref<10240x128xf32, #tpu.memory_space<hbm>>) dst(%arg10 : memref<128x128xf32, #tpu.memory_space<vmem>>)
        "tpu.region"() ({
          %run_scoped3A_82 = tpu.sem_alloc : memref<!tpu.dma_semaphore, #tpu.memory_space<semaphore_mem>>
          %dma_start3A_83 = arith.constant 0 : i32
          %dma_start3A_84 = tpu.memref_slice %arg9[%mul3A_49, %dma_start3A_83] : memref<40x128xi32, #tpu.memory_space<vmem>> -> memref<1x128xi32, #tpu.memory_space<vmem>>
          %dma_start3A_85 = tpu.memref_squeeze %dma_start3A_84 : memref<1x128xi32, #tpu.memory_space<vmem>> -> memref<128xi32, #tpu.memory_space<vmem>>
          %dma_start3A_86 = arith.constant 0 : i32
          %dma_start3A_87 = arith.constant 0 : i32
          %dma_start3A_88 = tpu.memref_slice %arg7[%dma_start3A_86, %dma_start3A_87] : memref<10240x128xf32, #tpu.memory_space<vmem_shared>> -> memref<10240x128xf32, #tpu.memory_space<vmem_shared>>
          tpu.enqueue_indirect_dma source(%arg10 : memref<128x128xf32, #tpu.memory_space<vmem>>) target(%dma_start3A_88 : memref<10240x128xf32, #tpu.memory_space<vmem_shared>>) offsets(%dma_start3A_85 : memref<128xi32, #tpu.memory_space<vmem>>) semaphore(%run_scoped3A_82 : memref<!tpu.dma_semaphore, #tpu.memory_space<semaphore_mem>>) {add = true}
          %dma_wait3A_89 = arith.constant 0 : i32
          %dma_wait3A_90 = tpu.memref_slice %arg9[%mul3A_49, %dma_wait3A_89] : memref<40x128xi32, #tpu.memory_space<vmem>> -> memref<1x128xi32, #tpu.memory_space<vmem>>
          %dma_wait3A_91 = tpu.memref_squeeze %dma_wait3A_90 : memref<1x128xi32, #tpu.memory_space<vmem>> -> memref<128xi32, #tpu.memory_space<vmem>>
          %dma_wait3A_92 = arith.constant 0 : i32
          %dma_wait3A_93 = arith.constant 0 : i32
          %dma_wait3A_94 = tpu.memref_slice %arg7[%dma_wait3A_92, %dma_wait3A_93] : memref<10240x128xf32, #tpu.memory_space<vmem_shared>> -> memref<10240x128xf32, #tpu.memory_space<vmem_shared>>
          tpu.wait_indirect_dma semaphore(%run_scoped3A_82 : memref<!tpu.dma_semaphore, #tpu.memory_space<semaphore_mem>>) src(%arg10 : memref<128x128xf32, #tpu.memory_space<vmem>>) dst(%dma_wait3A_94 : memref<10240x128xf32, #tpu.memory_space<vmem_shared>>)
          tpu.yield
        }) : () -> ()
        %add3A_64 = arith.constant 2 : i32
        %add3A_65 = arith.addi %mul3A_49, %add3A_64 : i32
        %dma_start3A_66 = arith.constant 0 : i32
        %dma_start3A_67 = tpu.memref_slice %arg8[%add3A_65, %dma_start3A_66] : memref<40x128xi32, #tpu.memory_space<vmem>> -> memref<1x128xi32, #tpu.memory_space<vmem>>
        %dma_start3A_68 = tpu.memref_squeeze %dma_start3A_67 : memref<1x128xi32, #tpu.memory_space<vmem>> -> memref<128xi32, #tpu.memory_space<vmem>>
        %dma_start3A_69 = arith.constant 0 : i32
        %dma_start3A_70 = arith.constant 0 : i32
        %dma_start3A_71 = tpu.memref_slice %arg2[%dma_start3A_69, %dma_start3A_70] : memref<10240x128xf32, #tpu.memory_space<hbm>> -> memref<10240x128xf32, #tpu.memory_space<hbm>>
        tpu.enqueue_indirect_dma source(%dma_start3A_71 : memref<10240x128xf32, #tpu.memory_space<hbm>>) target(%arg10 : memref<128x128xf32, #tpu.memory_space<vmem>>) offsets(%dma_start3A_68 : memref<128xi32, #tpu.memory_space<vmem>>) semaphore(%arg12 : memref<!tpu.dma_semaphore, #tpu.memory_space<semaphore_mem>>)
        %add3A_72 = arith.constant 1 : i32
        %add3A_73 = arith.addi %mul3A_49, %add3A_72 : i32
        %dma_wait3A_74 = arith.constant 0 : i32
        %dma_wait3A_75 = tpu.memref_slice %arg8[%add3A_73, %dma_wait3A_74] : memref<40x128xi32, #tpu.memory_space<vmem>> -> memref<1x128xi32, #tpu.memory_space<vmem>>
        %dma_wait3A_76 = tpu.memref_squeeze %dma_wait3A_75 : memref<1x128xi32, #tpu.memory_space<vmem>> -> memref<128xi32, #tpu.memory_space<vmem>>
        %dma_wait3A_77 = arith.constant 0 : i32
        %dma_wait3A_78 = arith.constant 0 : i32
        %dma_wait3A_79 = tpu.memref_slice %arg2[%dma_wait3A_77, %dma_wait3A_78] : memref<10240x128xf32, #tpu.memory_space<hbm>> -> memref<10240x128xf32, #tpu.memory_space<hbm>>
        tpu.wait_indirect_dma semaphore(%arg13 : memref<!tpu.dma_semaphore, #tpu.memory_space<semaphore_mem>>) src(%dma_wait3A_79 : memref<10240x128xf32, #tpu.memory_space<hbm>>) dst(%arg11 : memref<128x128xf32, #tpu.memory_space<vmem>>)
        %add3A_80 = arith.constant 1 : i32
        %add3A_81 = arith.addi %mul3A_49, %add3A_80 : i32
        "tpu.region"() ({
          %run_scoped3A_82 = tpu.sem_alloc : memref<!tpu.dma_semaphore, #tpu.memory_space<semaphore_mem>>
          %dma_start3A_83 = arith.constant 0 : i32
          %dma_start3A_84 = tpu.memref_slice %arg9[%add3A_81, %dma_start3A_83] : memref<40x128xi32, #tpu.memory_space<vmem>> -> memref<1x128xi32, #tpu.memory_space<vmem>>
          %dma_start3A_85 = tpu.memref_squeeze %dma_start3A_84 : memref<1x128xi32, #tpu.memory_space<vmem>> -> memref<128xi32, #tpu.memory_space<vmem>>
          %dma_start3A_86 = arith.constant 0 : i32
          %dma_start3A_87 = arith.constant 0 : i32
          %dma_start3A_88 = tpu.memref_slice %arg7[%dma_start3A_86, %dma_start3A_87] : memref<10240x128xf32, #tpu.memory_space<vmem_shared>> -> memref<10240x128xf32, #tpu.memory_space<vmem_shared>>
          tpu.enqueue_indirect_dma source(%arg11 : memref<128x128xf32, #tpu.memory_space<vmem>>) target(%dma_start3A_88 : memref<10240x128xf32, #tpu.memory_space<vmem_shared>>) offsets(%dma_start3A_85 : memref<128xi32, #tpu.memory_space<vmem>>) semaphore(%run_scoped3A_82 : memref<!tpu.dma_semaphore, #tpu.memory_space<semaphore_mem>>) {add = true}
          %dma_wait3A_89 = arith.constant 0 : i32
          %dma_wait3A_90 = tpu.memref_slice %arg9[%add3A_81, %dma_wait3A_89] : memref<40x128xi32, #tpu.memory_space<vmem>> -> memref<1x128xi32, #tpu.memory_space<vmem>>
          %dma_wait3A_91 = tpu.memref_squeeze %dma_wait3A_90 : memref<1x128xi32, #tpu.memory_space<vmem>> -> memref<128xi32, #tpu.memory_space<vmem>>
          %dma_wait3A_92 = arith.constant 0 : i32
          %dma_wait3A_93 = arith.constant 0 : i32
          %dma_wait3A_94 = tpu.memref_slice %arg7[%dma_wait3A_92, %dma_wait3A_93] : memref<10240x128xf32, #tpu.memory_space<vmem_shared>> -> memref<10240x128xf32, #tpu.memory_space<vmem_shared>>
          tpu.wait_indirect_dma semaphore(%run_scoped3A_82 : memref<!tpu.dma_semaphore, #tpu.memory_space<semaphore_mem>>) src(%arg11 : memref<128x128xf32, #tpu.memory_space<vmem>>) dst(%dma_wait3A_94 : memref<10240x128xf32, #tpu.memory_space<vmem_shared>>)
          tpu.yield
        }) : () -> ()
      }
      %scan3A_25 = arith.constant 19 : i32
      %dma_start3A_26 = arith.constant 39 : i32
      %dma_start3A_27 = arith.constant 0 : i32
      %dma_start3A_28 = tpu.memref_slice %arg8[%dma_start3A_26, %dma_start3A_27] : memref<40x128xi32, #tpu.memory_space<vmem>> -> memref<1x128xi32, #tpu.memory_space<vmem>>
      %dma_start3A_29 = tpu.memref_squeeze %dma_start3A_28 : memref<1x128xi32, #tpu.memory_space<vmem>> -> memref<128xi32, #tpu.memory_space<vmem>>
      %dma_start3A_30 = arith.constant 0 : i32
      %dma_start3A_31 = arith.constant 0 : i32
      %dma_start3A_32 = tpu.memref_slice %arg2[%dma_start3A_30, %dma_start3A_31] : memref<10240x128xf32, #tpu.memory_space<hbm>> -> memref<10240x128xf32, #tpu.memory_space<hbm>>
      tpu.enqueue_indirect_dma source(%dma_start3A_32 : memref<10240x128xf32, #tpu.memory_space<hbm>>) target(%arg11 : memref<128x128xf32, #tpu.memory_space<vmem>>) offsets(%dma_start3A_29 : memref<128xi32, #tpu.memory_space<vmem>>) semaphore(%arg13 : memref<!tpu.dma_semaphore, #tpu.memory_space<semaphore_mem>>)
      %dma_wait3A = arith.constant 38 : i32
      %dma_wait3A_33 = arith.constant 0 : i32
      %dma_wait3A_34 = tpu.memref_slice %arg8[%dma_wait3A, %dma_wait3A_33] : memref<40x128xi32, #tpu.memory_space<vmem>> -> memref<1x128xi32, #tpu.memory_space<vmem>>
      %dma_wait3A_35 = tpu.memref_squeeze %dma_wait3A_34 : memref<1x128xi32, #tpu.memory_space<vmem>> -> memref<128xi32, #tpu.memory_space<vmem>>
      %dma_wait3A_36 = arith.constant 0 : i32
      %dma_wait3A_37 = arith.constant 0 : i32
      %dma_wait3A_38 = tpu.memref_slice %arg2[%dma_wait3A_36, %dma_wait3A_37] : memref<10240x128xf32, #tpu.memory_space<hbm>> -> memref<10240x128xf32, #tpu.memory_space<hbm>>
      tpu.wait_indirect_dma semaphore(%arg12 : memref<!tpu.dma_semaphore, #tpu.memory_space<semaphore_mem>>) src(%dma_wait3A_38 : memref<10240x128xf32, #tpu.memory_space<hbm>>) dst(%arg10 : memref<128x128xf32, #tpu.memory_space<vmem>>)
      %run_scoped3A = arith.constant 38 : i32
      "tpu.region"() ({
        %run_scoped3A_47 = tpu.sem_alloc : memref<!tpu.dma_semaphore, #tpu.memory_space<semaphore_mem>>
        %dma_start3A_48 = arith.constant 0 : i32
        %dma_start3A_49 = tpu.memref_slice %arg9[%run_scoped3A, %dma_start3A_48] : memref<40x128xi32, #tpu.memory_space<vmem>> -> memref<1x128xi32, #tpu.memory_space<vmem>>
        %dma_start3A_50 = tpu.memref_squeeze %dma_start3A_49 : memref<1x128xi32, #tpu.memory_space<vmem>> -> memref<128xi32, #tpu.memory_space<vmem>>
        %dma_start3A_51 = arith.constant 0 : i32
        %dma_start3A_52 = arith.constant 0 : i32
        %dma_start3A_53 = tpu.memref_slice %arg7[%dma_start3A_51, %dma_start3A_52] : memref<10240x128xf32, #tpu.memory_space<vmem_shared>> -> memref<10240x128xf32, #tpu.memory_space<vmem_shared>>
        tpu.enqueue_indirect_dma source(%arg10 : memref<128x128xf32, #tpu.memory_space<vmem>>) target(%dma_start3A_53 : memref<10240x128xf32, #tpu.memory_space<vmem_shared>>) offsets(%dma_start3A_50 : memref<128xi32, #tpu.memory_space<vmem>>) semaphore(%run_scoped3A_47 : memref<!tpu.dma_semaphore, #tpu.memory_space<semaphore_mem>>) {add = true}
        %dma_wait3A_54 = arith.constant 0 : i32
        %dma_wait3A_55 = tpu.memref_slice %arg9[%run_scoped3A, %dma_wait3A_54] : memref<40x128xi32, #tpu.memory_space<vmem>> -> memref<1x128xi32, #tpu.memory_space<vmem>>
        %dma_wait3A_56 = tpu.memref_squeeze %dma_wait3A_55 : memref<1x128xi32, #tpu.memory_space<vmem>> -> memref<128xi32, #tpu.memory_space<vmem>>
        %dma_wait3A_57 = arith.constant 0 : i32
        %dma_wait3A_58 = arith.constant 0 : i32
        %dma_wait3A_59 = tpu.memref_slice %arg7[%dma_wait3A_57, %dma_wait3A_58] : memref<10240x128xf32, #tpu.memory_space<vmem_shared>> -> memref<10240x128xf32, #tpu.memory_space<vmem_shared>>
        tpu.wait_indirect_dma semaphore(%run_scoped3A_47 : memref<!tpu.dma_semaphore, #tpu.memory_space<semaphore_mem>>) src(%arg10 : memref<128x128xf32, #tpu.memory_space<vmem>>) dst(%dma_wait3A_59 : memref<10240x128xf32, #tpu.memory_space<vmem_shared>>)
        tpu.yield
      }) : () -> ()
      %dma_wait3A_39 = arith.constant 39 : i32
      %dma_wait3A_40 = arith.constant 0 : i32
      %dma_wait3A_41 = tpu.memref_slice %arg8[%dma_wait3A_39, %dma_wait3A_40] : memref<40x128xi32, #tpu.memory_space<vmem>> -> memref<1x128xi32, #tpu.memory_space<vmem>>
      %dma_wait3A_42 = tpu.memref_squeeze %dma_wait3A_41 : memref<1x128xi32, #tpu.memory_space<vmem>> -> memref<128xi32, #tpu.memory_space<vmem>>
      %dma_wait3A_43 = arith.constant 0 : i32
      %dma_wait3A_44 = arith.constant 0 : i32
      %dma_wait3A_45 = tpu.memref_slice %arg2[%dma_wait3A_43, %dma_wait3A_44] : memref<10240x128xf32, #tpu.memory_space<hbm>> -> memref<10240x128xf32, #tpu.memory_space<hbm>>
      tpu.wait_indirect_dma semaphore(%arg13 : memref<!tpu.dma_semaphore, #tpu.memory_space<semaphore_mem>>) src(%dma_wait3A_45 : memref<10240x128xf32, #tpu.memory_space<hbm>>) dst(%arg11 : memref<128x128xf32, #tpu.memory_space<vmem>>)
      %run_scoped3A_46 = arith.constant 39 : i32
      "tpu.region"() ({
        %run_scoped3A_47 = tpu.sem_alloc : memref<!tpu.dma_semaphore, #tpu.memory_space<semaphore_mem>>
        %dma_start3A_48 = arith.constant 0 : i32
        %dma_start3A_49 = tpu.memref_slice %arg9[%run_scoped3A_46, %dma_start3A_48] : memref<40x128xi32, #tpu.memory_space<vmem>> -> memref<1x128xi32, #tpu.memory_space<vmem>>
        %dma_start3A_50 = tpu.memref_squeeze %dma_start3A_49 : memref<1x128xi32, #tpu.memory_space<vmem>> -> memref<128xi32, #tpu.memory_space<vmem>>
        %dma_start3A_51 = arith.constant 0 : i32
        %dma_start3A_52 = arith.constant 0 : i32
        %dma_start3A_53 = tpu.memref_slice %arg7[%dma_start3A_51, %dma_start3A_52] : memref<10240x128xf32, #tpu.memory_space<vmem_shared>> -> memref<10240x128xf32, #tpu.memory_space<vmem_shared>>
        tpu.enqueue_indirect_dma source(%arg11 : memref<128x128xf32, #tpu.memory_space<vmem>>) target(%dma_start3A_53 : memref<10240x128xf32, #tpu.memory_space<vmem_shared>>) offsets(%dma_start3A_50 : memref<128xi32, #tpu.memory_space<vmem>>) semaphore(%run_scoped3A_47 : memref<!tpu.dma_semaphore, #tpu.memory_space<semaphore_mem>>) {add = true}
        %dma_wait3A_54 = arith.constant 0 : i32
        %dma_wait3A_55 = tpu.memref_slice %arg9[%run_scoped3A_46, %dma_wait3A_54] : memref<40x128xi32, #tpu.memory_space<vmem>> -> memref<1x128xi32, #tpu.memory_space<vmem>>
        %dma_wait3A_56 = tpu.memref_squeeze %dma_wait3A_55 : memref<1x128xi32, #tpu.memory_space<vmem>> -> memref<128xi32, #tpu.memory_space<vmem>>
        %dma_wait3A_57 = arith.constant 0 : i32
        %dma_wait3A_58 = arith.constant 0 : i32
        %dma_wait3A_59 = tpu.memref_slice %arg7[%dma_wait3A_57, %dma_wait3A_58] : memref<10240x128xf32, #tpu.memory_space<vmem_shared>> -> memref<10240x128xf32, #tpu.memory_space<vmem_shared>>
        tpu.wait_indirect_dma semaphore(%run_scoped3A_47 : memref<!tpu.dma_semaphore, #tpu.memory_space<semaphore_mem>>) src(%arg11 : memref<128x128xf32, #tpu.memory_space<vmem>>) dst(%dma_wait3A_59 : memref<10240x128xf32, #tpu.memory_space<vmem_shared>>)
        tpu.yield
      }) : () -> ()
    }
    %scan3A_7 = arith.constant 2 : i32
    %barrier3A_8 = arith.constant 0 : index
    tpu.barrier barrier_id(%barrier3A_8)
    "tpu.region"() ({
      %run_scoped3A = tpu.sem_alloc : memref<!tpu.dma_semaphore, #tpu.memory_space<semaphore_mem>>
      %dma_start3A = arith.constant 0 : i32
      %dma_start3A_9 = tpu.memref_slice %arg6[%arg0, %mul3A_2, %dma_start3A] : memref<2x10240x128xf32, #tpu.memory_space<hbm>> -> memref<1x640x128xf32, #tpu.memory_space<hbm>>
      %dma_start3A_10 = tpu.memref_squeeze %dma_start3A_9 : memref<1x640x128xf32, #tpu.memory_space<hbm>> -> memref<640x128xf32, #tpu.memory_space<hbm>>
      %dma_start3A_11 = arith.constant 0 : i32
      %dma_start3A_12 = tpu.memref_slice %arg7[%mul3A_2, %dma_start3A_11] : memref<10240x128xf32, #tpu.memory_space<vmem_shared>> -> memref<640x128xf32, #tpu.memory_space<vmem_shared>>
      tpu.enqueue_dma source(%dma_start3A_12 : memref<640x128xf32, #tpu.memory_space<vmem_shared>>) target(%dma_start3A_10 : memref<640x128xf32, #tpu.memory_space<hbm>>) target_semaphore(%run_scoped3A : memref<!tpu.dma_semaphore, #tpu.memory_space<semaphore_mem>>)
      %dma_wait3A = arith.constant 0 : i32
      %dma_wait3A_13 = tpu.memref_slice %arg6[%arg0, %mul3A_2, %dma_wait3A] : memref<2x10240x128xf32, #tpu.memory_space<hbm>> -> memref<1x640x128xf32, #tpu.memory_space<hbm>>
      %dma_wait3A_14 = tpu.memref_squeeze %dma_wait3A_13 : memref<1x640x128xf32, #tpu.memory_space<hbm>> -> memref<640x128xf32, #tpu.memory_space<hbm>>
      %dma_wait3A_15 = arith.constant 0 : i32
      %dma_wait3A_16 = tpu.memref_slice %arg7[%mul3A_2, %dma_wait3A_15] : memref<10240x128xf32, #tpu.memory_space<vmem_shared>> -> memref<640x128xf32, #tpu.memory_space<vmem_shared>>
      tpu.wait_dma2 semaphore(%run_scoped3A : memref<!tpu.dma_semaphore, #tpu.memory_space<semaphore_mem>>) src(%dma_wait3A_16 : memref<640x128xf32, #tpu.memory_space<vmem_shared>>) dst(%dma_wait3A_14 : memref<640x128xf32, #tpu.memory_space<hbm>>)
      tpu.yield
    }) : () -> ()
    return
  }
}

module attributes {stable_mosaic.version = 14 : i64} {
  func.func @_disy_body(%arg0: memref<32x10240xf32, #tpu.memory_space<vmem>>, %arg1: memref<10000x128xf32, #tpu.memory_space<vmem>>, %arg2: memref<10240x128xf32, #tpu.memory_space<vmem>>, %arg3: memref<10240x1xf32, #tpu.memory_space<vmem>>) attributes {dimension_semantics = [], scalar_prefetch = 0 : i64, scratch_operands = 0 : i64, tpu.core_type = #tpu.core_type<tc>} {
    %get3A = arith.constant 0 : index
    %get3A_0 = arith.constant 0 : index
    %get3A_1 = vector.load %arg0[%get3A, %get3A_0] : memref<32x10240xf32, #tpu.memory_space<vmem>>, vector<32x10240xf32>
    %reduce_sum3A = arith.constant dense<0.000000e+00> : vector<10240xf32>
    %reduce_sum3A_2 = vector.multi_reduction <add>, %get3A_1, %reduce_sum3A [0] : vector<32x10240xf32> to vector<10240xf32>
    %add3A = arith.constant 1.000000e+00 : f32
    %add3A_3 = vector.broadcast %add3A : f32 to vector<10240xf32>
    %add3A_4 = arith.addf %reduce_sum3A_2, %add3A_3 : vector<10240xf32>
    %rsqrt3A = math.rsqrt %add3A_4 : vector<10240xf32>
    %broadcast_in_dim3A = vector.shape_cast %rsqrt3A : vector<10240xf32> to vector<10240x1xf32>
    %swap3A = arith.constant 0 : index
    %swap3A_5 = arith.constant 0 : index
    %swap3A_6 = vector.load %arg3[%swap3A, %swap3A_5] : memref<10240x1xf32, #tpu.memory_space<vmem>>, vector<10240x1xf32>
    tpu.vector_store %arg3[%swap3A, %swap3A_5], %broadcast_in_dim3A {strides = array<i32>} : memref<10240x1xf32, #tpu.memory_space<vmem>>, vector<10240x1xf32>,
    %get3A_7 = arith.constant 0 : index
    %get3A_8 = arith.constant 0 : index
    %get3A_9 = vector.load %arg1[%get3A_7, %get3A_8] : memref<10000x128xf32, #tpu.memory_space<vmem>>, vector<10000x128xf32>
    %slice3A = vector.extract_strided_slice %rsqrt3A {offsets = [0], sizes = [10000], strides = [1]} : vector<10240xf32> to vector<10000xf32>
    %broadcast_in_dim3A_10 = vector.shape_cast %slice3A : vector<10000xf32> to vector<10000x1xf32>
    %mul3A = vector.broadcast %broadcast_in_dim3A_10 : vector<10000x1xf32> to vector<10000x128xf32>
    %mul3A_11 = arith.mulf %get3A_9, %mul3A : vector<10000x128xf32>
    %swap3A_12 = arith.constant 0 : index
    %swap3A_13 = arith.constant 0 : index
    %swap3A_14 = vector.load %arg2[%swap3A_12, %swap3A_13] : memref<10240x128xf32, #tpu.memory_space<vmem>>, vector<10000x128xf32>
    tpu.vector_store %arg2[%swap3A_12, %swap3A_13], %mul3A_11 {strides = array<i32>} : memref<10240x128xf32, #tpu.memory_space<vmem>>, vector<10000x128xf32>,
    %broadcast_in_dim3A_15 = arith.constant 0.000000e+00 : f32
    %broadcast_in_dim3A_16 = vector.broadcast %broadcast_in_dim3A_15 : f32 to vector<240x128xf32>
    %swap3A_17 = arith.constant 10000 : index
    %swap3A_18 = arith.constant 0 : index
    %swap3A_19 = vector.load %arg2[%swap3A_17, %swap3A_18] : memref<10240x128xf32, #tpu.memory_space<vmem>>, vector<240x128xf32>
    tpu.vector_store %arg2[%swap3A_17, %swap3A_18], %broadcast_in_dim3A_16 {strides = array<i32>} : memref<10240x128xf32, #tpu.memory_space<vmem>>, vector<240x128xf32>,
    return
  }
}

module attributes {stable_mosaic.version = 14 : i64} {
  func.func @_final_body(%arg0: memref<2x10240x128xf32, #tpu.memory_space<vmem>>, %arg1: memref<10240x128xf32, #tpu.memory_space<vmem>>, %arg2: memref<10240x1xf32, #tpu.memory_space<vmem>>, %arg3: memref<10240x1xi32, #tpu.memory_space<vmem>>, %arg4: memref<128x256xf32, #tpu.memory_space<vmem>>, %arg5: memref<1x256xf32, #tpu.memory_space<vmem>>, %arg6: memref<128x256xf32, #tpu.memory_space<vmem>>) attributes {dimension_semantics = [], scalar_prefetch = 0 : i64, scratch_operands = 0 : i64, tpu.core_type = #tpu.core_type<tc>} {
    %get3A = arith.constant 0 : index
    %get3A_0 = arith.constant 0 : index
    %get3A_1 = arith.constant 0 : index
    %get3A_2 = vector.load %arg0[%get3A, %get3A_0, %get3A_1] : memref<2x10240x128xf32, #tpu.memory_space<vmem>>, vector<1x10240x128xf32>
    %get3A_3 = vector.shape_cast %get3A_2 : vector<1x10240x128xf32> to vector<10240x128xf32>
    %get3A_4 = arith.constant 1 : index
    %get3A_5 = arith.constant 0 : index
    %get3A_6 = arith.constant 0 : index
    %get3A_7 = vector.load %arg0[%get3A_4, %get3A_5, %get3A_6] : memref<2x10240x128xf32, #tpu.memory_space<vmem>>, vector<1x10240x128xf32>
    %get3A_8 = vector.shape_cast %get3A_7 : vector<1x10240x128xf32> to vector<10240x128xf32>
    %add3A = arith.addf %get3A_3, %get3A_8 : vector<10240x128xf32>
    %get3A_9 = arith.constant 0 : index
    %get3A_10 = arith.constant 0 : index
    %get3A_11 = vector.load %arg1[%get3A_9, %get3A_10] : memref<10240x128xf32, #tpu.memory_space<vmem>>, vector<10240x128xf32>
    %add3A_12 = arith.addf %add3A, %get3A_11 : vector<10240x128xf32>
    %get3A_13 = arith.constant 0 : index
    %get3A_14 = arith.constant 0 : index
    %get3A_15 = vector.load %arg2[%get3A_13, %get3A_14] : memref<10240x1xf32, #tpu.memory_space<vmem>>, vector<10240x1xf32>
    %mul3A = vector.broadcast %get3A_15 : vector<10240x1xf32> to vector<10240x128xf32>
    %mul3A_16 = arith.mulf %add3A_12, %mul3A : vector<10240x128xf32>
    %get3A_17 = arith.constant 0 : index
    %get3A_18 = arith.constant 0 : index
    %get3A_19 = vector.load %arg4[%get3A_17, %get3A_18] : memref<128x256xf32, #tpu.memory_space<vmem>>, vector<128x256xf32>
    %dot_general3A = arith.constant dense<0.000000e+00> : vector<10240x256xf32>
    %dot_general3A_20 = tpu.matmul %mul3A_16, %get3A_19, %dot_general3A {dimension_numbers = #tpu.dot_dimension_numbers<[1], [0], [0], [1], [0, 0, 1, 1], [], []>, transpose_lhs_hint = false} : vector<10240x128xf32>, vector<128x256xf32>, vector<10240x256xf32> -> vector<10240x256xf32>
    %get3A_21 = arith.constant 0 : index
    %get3A_22 = arith.constant 0 : index
    %get3A_23 = vector.load %arg5[%get3A_21, %get3A_22] : memref<1x256xf32, #tpu.memory_space<vmem>>, vector<1x256xf32>
    %add3A_24 = vector.broadcast %get3A_23 : vector<1x256xf32> to vector<10240x256xf32>
    %add3A_25 = arith.addf %dot_general3A_20, %add3A_24 : vector<10240x256xf32>
    %max3A = arith.constant 0.000000e+00 : f32
    %max3A_26 = vector.broadcast %max3A : f32 to vector<10240x256xf32>
    %max3A_27 = arith.maximumf %add3A_25, %max3A_26 : vector<10240x256xf32>
    %iota3A = tpu.iota {dimensions = array<i32: 1>} : vector<10240x128xi32>
    %get3A_28 = arith.constant 0 : index
    %get3A_29 = arith.constant 0 : index
    %get3A_30 = vector.load %arg3[%get3A_28, %get3A_29] : memref<10240x1xi32, #tpu.memory_space<vmem>>, vector<10240x1xi32>
    %eq3A = vector.broadcast %get3A_30 : vector<10240x1xi32> to vector<10240x128xi32>
    %eq3A_31 = arith.cmpi eq, %eq3A, %iota3A : vector<10240x128xi32>
    %convert_element_type3A = arith.extui %eq3A_31 : vector<10240x128xi1> to vector<10240x128xi32>
    %convert_element_type3A_32 = arith.sitofp %convert_element_type3A : vector<10240x128xi32> to vector<10240x128xf32>
    %transpose3A = tpu.transpose %convert_element_type3A_32, [1, 0] : vector<10240x128xf32> -> vector<128x10240xf32>
    %dot_general3A_33 = arith.constant dense<0.000000e+00> : vector<128x256xf32>
    %dot_general3A_34 = tpu.matmul %transpose3A, %max3A_27, %dot_general3A_33 {dimension_numbers = #tpu.dot_dimension_numbers<[1], [0], [0], [1], [0, 0, 1, 1], [], []>, transpose_lhs_hint = false} : vector<128x10240xf32>, vector<10240x256xf32>, vector<128x256xf32> -> vector<128x256xf32>
    %reduce_sum3A = arith.constant dense<0.000000e+00> : vector<128xf32>
    %reduce_sum3A_35 = vector.multi_reduction <add>, %convert_element_type3A_32, %reduce_sum3A [0] : vector<10240x128xf32> to vector<128xf32>
    %max3A_36 = arith.constant 1.000000e+00 : f32
    %max3A_37 = vector.broadcast %max3A_36 : f32 to vector<128xf32>
    %max3A_38 = arith.maximumf %reduce_sum3A_35, %max3A_37 : vector<128xf32>
    %broadcast_in_dim3A = vector.shape_cast %max3A_38 : vector<128xf32> to vector<128x1xf32>
    %div3A = vector.broadcast %broadcast_in_dim3A : vector<128x1xf32> to vector<128x256xf32>
    %div3A_39 = arith.divf %dot_general3A_34, %div3A : vector<128x256xf32>
    %swap3A = arith.constant 0 : index
    %swap3A_40 = arith.constant 0 : index
    %swap3A_41 = vector.load %arg6[%swap3A, %swap3A_40] : memref<128x256xf32, #tpu.memory_space<vmem>>, vector<128x256xf32>
    tpu.vector_store %arg6[%swap3A, %swap3A_40], %div3A_39 {strides = array<i32>} : memref<128x256xf32, #tpu.memory_space<vmem>>, vector<128x256xf32>,
    return
  }
}

</mosaic_0001>

<sc_bundles>
// kernel: kernel.6.cloned.1.call-start
scs
__scs_entry_jumppad:
0x0: {  	(pc) =	sbr.rel $0x88, $3  }
0x1: {  	(tag) =	ssettag $0x0;
	lr =	simm.s32 $0x1  }
0x2: {  	[smem:$0x3F9C] =	sst lr;
	_ =	strace $0xD0000000  }
0x3: {  	_ = 	snop  }
0x4: {  	_ = 	snop  }
0x5: {  	_ = 	snop  }
0x6: {  	_ = 	snop  }
0x7: {  	_ = 	snop  }
__scs_overlays_trampoline_lowered:
0x8: {  	[smem:$0x3FAB] =	sst s0  }
0x9: {  	[smem:$0x3FAC] =	sst s1  }
0xa: {  	[smem:$0x3FAD] =	sst s2  }
0xb: {  	[smem:$0x3FAE] =	sst s3  }
0xc: {  	[smem:$0x3FAF] =	sst s4  }
0xd: {  	[smem:$0x3FB0] =	sst s5  }
0xe: {  	[smem:$0x3FB1] =	sst s6  }
0xf: {  	[smem:$0x3FB2] =	sst s7  }
0x10: {  	[smem:$0x3FB3] =	sst s8  }
0x11: {  	[smem:$0x3FB4] =	sst s9;
	s0 =	simm.s32 @!p0 $0x0  }
0x12: {  	s1 =	sld [smem:$0x3F9A];
	s0 =	simm.s32 @p0 $0x1  }
0x13: {  	[smem:$0x3FB5] =	sst s0;
	s0 =	simm.s32 @!p1 $0x0  }
0x14: {  	s2 =	sld [smem:$0x3F99];
	s0 =	simm.s32 @p1 $0x1  }
0x15: {  	[smem:$0x3FB6] =	sst s0;
	s0 =	simm.s32 @!p2 $0x0  }
0x16: {  	s3 =	sld [smem:$0x3FDB];
	s0 =	simm.s32 @p2 $0x1  }
0x17: {  	s4 =	simm.s32 $0x1BF5;
	[smem:$0x3FB8] =	sst s0  }
0x18: {  	s0 =	sld [smem:$0x3F9B];
	_ =	swait.ge [sflag:s4], $0x0  }
0x19: {  	s7 =	sld [smem:$0x3F9C]  }
0x1a: {  	s8 =	sadd.s32 $0xFFFFE003, lr  }
0x1b: {  	s9 =	sadd.s32 $0xFFFFFEF7, lr;
	s5 =	simm.s32 $0xFFFFFFFF;
	p2 =	slt.u32 s8, $0xFFFFF086  }
0x1c: {  	p1 =	slt.u32 s9, $0xF7A;
	s5 =	simm.s32 @!p2 $0x0  }
0x1d: {  	s5 =	simm.s32 @p1 $0x1;
	p0 =	seq.s32 s7, s2  }
0x1e: {  	s7 =	smul.u32 @!p0 $0xF7A, s2;
	p2 =	seq.s32 @!p0 s5, $0x0  }
0x1f: {  	s9 =	smul.u32 $0xF7A, s1;
	s8 =	simm.s32 @!p0 $0x1BF5;
	p2 =	por !p2, p0  }
0x20: {  	[sflag:s8] =	ssyncset.s32 @!p0 $0xFFFFF086;
	s6 =	sadd.s32 @!p0 s3, s7;
	s7 =	simm.s32 @!p0 $0x108  }
0x21: {  	s3 =	sadd.s32 s3, s9;
	s6 =	sadd.s32 @!p0 $0x88, s6;
	s7 =	simm.s32 @p2 $0x1082  }
0x22: {  	[simem:s7], [sflag:s8] =	dma.local @!p0 [hbm:s6], $0xF7A  }
0x23: {  	s9 =	sor.u32 $0xD0000000, s2;
	s6 =	simm.s32 $0x108;
	_ =	swait.ge @!p0 [sflag:s8], $0x0  }
0x24: {  	s3 =	sadd.s32 $0x88, s3;
	s6 =	simm.s32 @!p1 $0x1082;
	[sflag:s4] =	ssyncset.s32 $0xFFFFF086  }
0x25: {  	[simem:s6], [sflag:s4] =	dma.local [hbm:s3], $0xF7A  }
0x26: {  	[smem:$0x3F9C] =	sst s1;
	(tag) =	ssettag s2;
	_ =	strace s9  }
0x27: {  	s1 =	sld [smem:$0x3FAC]  }
0x28: {  	s2 =	sld [smem:$0x3FAD]  }
0x29: {  	s4 =	sld [smem:$0x3FAF]  }
0x2a: {  	p0 =	seq.s32 s5, $0x0;
	s5 =	sld [smem:$0x3FB0]  }
0x2b: {  	s6 =	sld [smem:$0x3FB1]  }
0x2c: {  	s7 =	sld [smem:$0x3FB2]  }
0x2d: {  	s3 =	simm.s32 $0x108;
	s8 =	sld [smem:$0x3FB3]  }
0x2e: {  	s3 =	simm.s32 @!p0 $0x1082;
	s9 =	sld [smem:$0x3FB4]  }
0x2f: {  	lr =	sadd.s32 s0, s3;
	s0 =	sld [smem:$0x3FAB]  }
0x30: {  	s3 =	sld [smem:$0x3FAE]  }
0x31: {  	[smem:$0x3FB7] =	sst s10  }
0x32: {  	s10 =	sld [smem:$0x3FB5];
	_ =	sdelay $0x3  }
0x33: {  	p0 =	seq.s32 s10, $0x1;
	s10 =	sld [smem:$0x3FB7];
	_ =	sdelay $0x3  }
0x34: {  	[smem:$0x3FB7] =	sst s10  }
0x35: {  	s10 =	sld [smem:$0x3FB6];
	_ =	sdelay $0x3  }
0x36: {  	p1 =	seq.s32 s10, $0x1;
	s10 =	sld [smem:$0x3FB7];
	_ =	sdelay $0x3  }
0x37: {  	[smem:$0x3FB7] =	sst s10  }
0x38: {  	s10 =	sld [smem:$0x3FB8]  }
0x39: {  	_ = 	snop;
	(pc) =	sbr.ind lr, $3  }
0x3a: {  	_ = 	snop  }
0x3b: {  	_ = 	snop  }
0x3c: {  	p2 =	seq.s32 s10, $0x1;
	s10 =	sld [smem:$0x3FB7]  }
0x3d: {  	_ =	shalt  }
0x3e: {  	_ =	shalt  }
0x3f: {  	_ =	shalt  }
0x40: {  	_ =	shalt  }
0x41: {  	_ =	shalt  }
0x42: {  	_ =	shalt  }
0x43: {  	_ =	shalt  }
0x44: {  	_ =	shalt  }
0x45: {  	_ =	shalt  }
0x46: {  	_ =	shalt  }
0x47: {  	_ =	shalt  }
0x48: {  	_ =	shalt  }
0x49: {  	_ =	shalt  }
0x4a: {  	_ =	shalt  }
0x4b: {  	_ =	shalt  }
0x4c: {  	_ =	shalt  }
0x4d: {  	_ =	shalt  }
0x4e: {  	_ =	shalt  }
0x4f: {  	_ =	shalt  }
0x50: {  	_ =	shalt  }
0x51: {  	_ =	shalt  }
0x52: {  	_ =	shalt  }
0x53: {  	_ =	shalt  }
0x54: {  	_ =	shalt  }
0x55: {  	_ =	shalt  }
0x56: {  	_ =	shalt  }
0x57: {  	_ =	shalt  }
0x58: {  	_ =	shalt  }
0x59: {  	_ =	shalt  }
0x5a: {  	_ =	shalt  }
0x5b: {  	_ =	shalt  }
0x5c: {  	_ =	shalt  }
0x5d: {  	_ =	shalt  }
0x5e: {  	_ =	shalt  }
0x5f: {  	_ =	shalt  }
0x60: {  	_ =	shalt  }
0x61: {  	_ =	shalt  }
0x62: {  	_ =	shalt  }
0x63: {  	_ =	shalt  }
0x64: {  	_ =	shalt  }
0x65: {  	_ =	shalt  }
0x66: {  	_ =	shalt  }
0x67: {  	_ =	shalt  }
0x68: {  	_ =	shalt  }
0x69: {  	_ =	shalt  }
0x6a: {  	_ =	shalt  }
0x6b: {  	_ =	shalt  }
0x6c: {  	_ =	shalt  }
0x6d: {  	_ =	shalt  }
0x6e: {  	_ =	shalt  }
0x6f: {  	_ =	shalt  }
0x70: {  	_ =	shalt  }
0x71: {  	_ =	shalt  }
0x72: {  	_ =	shalt  }
0x73: {  	_ =	shalt  }
0x74: {  	_ =	shalt  }
0x75: {  	_ =	shalt  }
0x76: {  	_ =	shalt  }
0x77: {  	_ =	shalt  }
0x78: {  	_ =	shalt  }
0x79: {  	_ =	shalt  }
0x7a: {  	_ =	shalt  }
0x7b: {  	_ =	shalt  }
0x7c: {  	_ =	shalt  }
0x7d: {  	_ =	shalt  }
0x7e: {  	_ =	shalt  }
0x7f: {  	_ =	shalt  }
0x80: {  	_ =	shalt  }
0x81: {  	_ =	shalt  }
0x82: {  	_ =	shalt  }
0x83: {  	_ =	shalt  }
0x84: {  	_ =	shalt  }
0x85: {  	_ =	shalt  }
0x86: {  	_ =	shalt  }
0x87: {  	_ =	shalt  }
.Lfunc_end0:
.L_simem_size_0:
called_computation_lowered:
.L_overlay_start_0:
0x88: {  	s2 =	sld [smem:$0x3FD9]  }
0x89: {  	s3 =	sld [smem:$0x3FFE];
	_ =	sdelay $0x1  }
0x8a: {  	s1 =	srdreg.scid  }
0x8b: {  	s0 =	sand.u32 $0x1, s1  }
0x8c: {  	s16 =	sshll.u32 s0, $0xA;
	s2 =	sadd.s32 s3, s2  }
0x8d: {  	s2 =	sadd.s32 s2, s16  }
0x8e: {  	[smem:$0x3FC3] =	sst s2  }
0x8f: {  	_ = 	snop  }
0x90: {  	(tm) =	ssettm $0x1  }
0x91: {  	s17 =	sld [smem:$0x3FFB];
	_ =	sdelay $0x3  }
0x92: {  	_ =	strace s17  }
0x93: {  	s2 =	sld [smem:$0x3FFC];
	_ =	sdelay $0x3  }
0x94: {  	_ =	strace s2  }
0x95: {  	s2 =	sld [smem:$0x3FFD];
	_ =	sdelay $0x3  }
0x96: {  	_ =	strace s2  }
0x97: {  	_ =	strace $0x8FFFFFFF  }
0x98: {  	s18 =	sld [smem:$0x3FDB];
	_ =	sdelay $0x1  }
0x99: {  	s19 =	simm.s32 $_scs_section_size  }
0x9a: {  	s4 =	simm.s32 $_size__tile_overlayer_lowered;
	s5 =	simm.s32 $_tile_overlayer_lowered  }
0x9b: {  	s22 =	simm.s32 $0x1BFF;
	s21 =	sshll.u32 s5, $0x1;
	s2 =	sadd.s32 s19, s18  }
0x9c: {  	s6 =	simm.s32 $0x0;
	s20 =	sshll.u32 s4, $0x1;
	s4 =	sadd.s32 s21, s2  }
0x9d: {  	[timem:s6], [sflag:s22] =	dma.local [hbm:s4], s20  }
0x9e: {  	_ =	swait.ge [sflag:s22], s20  }
0x9f: {  	s3 =	ssub.s32 $0x0, s20;
	[sflag:s22] =	ssyncset.done $0x0  }
0xa0: {  	[sflag:s22] =	ssyncadd.s32 s3;
	_ =	sdelay $0x1  }
0xa1: {  	s23 =	simm.s32 $0x1B8B  }
0xa2: {  	_ =	swait.ge [sflag:s23], $0x1  }
0xa3: {  	[sflag:s23] =	ssyncset.done $0x0  }
0xa4: {  	s25 =	simm.s32 $0x1B8E;
	s24 =	sld [smem:$0x3FFE];
	[sflag:s23] =	ssyncadd.s32 $0xFFFFFFFF  }
0xa5: {  	s26 =	simm.s32 $execute0_lowered;
	[smem:$0x3FD2] =	sst s25  }
0xa6: {  	s4 =	sshll.u32 s26, $0x1;
	_ =	strace $0x80000046;
	[dreg:$0x1] =	wrdreg $0xFFFFFFFF  }
0xa7: {  	s28 =	simm.s32 $_size_execute0_lowered;
	s2 =	sadd.s32 s2, s4;
	[dreg:$0x0] =	wrdreg $0x0  }
0xa8: {  	s4 =	sshll.u32 s28, $0x1;
	[dreg:$0x2] =	wrdreg s2  }
0xa9: {  	[dreg:$0x3] =	wrdreg s4  }
0xaa: {  	[dreg:$0x4] =	wrdreg $0xC0  }
0xab: {  	_ =	task [dreg:s6], $0x5FFFF  }
0xac: {  	[dreg:$0x1] =	wrdreg $0xFFFFFFFF  }
0xad: {  	[dreg:$0x0] =	wrdreg $0x60  }
0xae: {  	[dreg:$0x2] =	wrdreg s24  }
0xaf: {  	[dreg:$0x3] =	wrdreg $0x9  }
0xb0: {  	_ =	task.clear_ibuf [dreg:s6], $0x4FFFF;
	_ =	strace $0x90000046  }
0xb1: {  	s29 =	simm.s32 $0x9;
	_ =	strace $0x80000048  }
0xb2: {  	_ =	swait.ge [sflag:s29], $0x1  }
0xb3: {  	[sflag:s29] =	ssyncadd.s32 $0xFFFFFFFF  }
0xb4: {  	_ =	strace $0x90000048  }
0xb5: {  	_ =	sfence  }
0xb6: {  	s30 =	sld [smem:$0x0];
	_ =	sdelay $0x2  }
0xb7: {  	s31 =	sshll.u32 s1, $0xD;
	s1 =	sshrl.u32 s1, $0x2  }
0xb8: {  	s3 =	sand.u32 $0x4000, s31;
	s1 =	sadd.s32 s1, s30  }
0xb9: {  	s0 =	sor.u32 s3, s0;
	s1 =	sshll.u32 s1, $0x11  }
0xba: {  	s0 =	sor.u32 s1, s0  }
0xbb: {  	s0 =	sadd.s32 $0x8F2B, s0  }
0xbc: {  	[sflag:s0] =	ssyncadd.remote.s32 $0x1  }
0xbd: {  	_ =	sfence.sel $0xFFFF  }
0xbe: {  	[dreg:$0x0] =	wrdreg $0xFFFFFFFF;
	(pc) =	sbr.abs _section_cstart, $3  }
0xbf: {  	[dreg:$0x1] =	wrdreg $0xFFFFFFFF  }
0xc0: {  	_ =	task.clear_ibuf [dreg:s6], $0x2FFFF;
	_ =	strace $0x9FFFFFFF  }
0xc1: {  	(tm) =	ssettm $0x7FFFFFFF  }
tec
execute0_lowered:
.L_overlay_start_1:
0x0: {  	(tag) =	ssettag $0x1  }
0x1: {  	s1 =	srdreg.scid  }
0x2: {  	s0 =	stileid.u32;
	s5 =	rddreg [dreg:$0x0]  }
0x3: {  	s6 =	simm.s32 $0x80;
	s7 =	simm.s32 $0x400;
	s8 =	simm.s32 $0x1  }
0x4: {  	s3 =	sand.u32 $0x1, s1;
	s29 =	sshrl.u32 s0, $0x2;
	s2 =	sshll.u32 s0, $0x8  }
0x5: {  	s4 =	smul.u32 $0x14000, s29;
	s30 =	sshll.u32 s3, $0x7;
	s2 =	sand.u32 $0x300, s2  }
0x6: {  	s9 =	simm.s32 $0x2800;
	s1 =	rddreg [dreg:$0x1];
	s2 =	sor.u32 s30, s2  }
0x7: {  	s3 =	ssub.s32 $0x2, s3;
	s4 =	sor.u32 s4, s2;
	s2 =	simm.s32 $0x0  }
0x8: {  	s31 =	sshrl.u32 s3, $0x1;
	s4 =	sshrl.u32 s4, $0x3;
	[smem:$0x7FF] =	sst s2  }
0x9: {  	s4 =	sadd.s32 s4, s5;
	_ =	strace $0x80000047;
	s5 =	ssub.s32 s3, s31  }
0xa: {  	v0 =	vimm.f32 $0.0e+00;
	v1 =	vimm.f32 $1.000000000e+00;
	s3 =	sadd.s32 $0x15A00, s4;
	s4 =	sadd.s32 $0x1FA00, s4;
	s5 =	smax.u32 s5, $0x1  }
.LBB2_1:
0xb: {  	s10 =	simm.s32 $0x40;
	s11 =	simm.s32 $0x0  }
.LBB2_2:
0xc: {  	p0 =	sne.s32 s10, $0x9FC0;
	[tilespmem:s11+$0x2800] =	vst v0;
	s11 =	smov.u32 s10;
	s10 =	sadd.s32 $0x40, s10  }
.Ltmp0:
0xd: {  	(pc) =	sbr.rel @p0 .LBB2_2-.Ltmp0, $2  }
0xe: {  	_ =	sdelay $0x2  }
0xf: {  	s11 =	sshra.s32 s11, $0x2  }
0x10: {  	[tilespmem:s11+$0x2800] =	vst v0;
	s10 =	simm.s32 $0x0  }
0x11: {  	[tilespmem:s10], [sflag:$0x1] =	stream.strided.gather [hbm4b:s3+s6], $0x2800, s7, s6, $0x38;
	[tilespmem:$0x5000] =	vst v63  }
0x12: {  	_ =	swait.ge [sflag:s8], $0x2800  }
0x13: {  	[sflag:s8] =	ssyncset.done $0x0  }
0x14: {  	s11 =	simm.s32 $0x0;
	s10 =	simm.s32 $0x40;
	[sflag:s8] =	ssyncadd.s32 $0xFFFFD800  }
.LBB2_4:
0x15: {  	p0 =	sne.s32 s10, $0x9FC0;
	v2 =	vld [tilespmem:s11+$0x0];
	_ =	sdelay $0x3  }
.Ltmp1:
0x16: {  	(pc) =	sbr.rel @p0 .LBB2_4-.Ltmp1, $2  }
0x17: {  	_ =	sdelay $0x2  }
0x18: {  	s11 =	sshra.s32 s10, $0x2;
	s10 =	sadd.s32 $0x40, s10;
	[tilespmem:v2+s9+$0x0] =	vst.idx.add.f32.msk $0xffff, v1  }
0x19: {  	v2 =	vld [tilespmem:s11+$0x0];
	_ =	sdelay $0x5  }
0x1a: {  	s2 =	sadd.s32 $0x1, s2  }
0x1b: {  	p0 =	sne.s32 s2, s5  }
.Ltmp2:
0x1c: {  	[tilespmem:v2+s9+$0x0] =	vst.idx.add.f32.msk $0xffff, v1;
	(pc) =	sbr.rel @p0 .LBB2_1-.Ltmp2, $4  }
0x1d: {  	[hbm4b:s4+s6] =	stream.strided.scatter [tilespmem:s9], [sflag:$0x1], $0x2800, s7, s6, $0x38;
	[tilespmem:$0x5000] =	vst v63  }
0x1e: {  	_ =	swait.ge [sflag:s8], $0x2800  }
0x1f: {  	[sflag:s8] =	ssyncset.done $0x0  }
0x20: {  	[sflag:s8] =	ssyncadd.s32 $0xFFFFD800  }
0x21: {  	_ =	sfence.sel $0x180000  }
0x22: {  	[bflag:$0x0] =	sbarrier.arrive $0xFFFF  }
0x23: {  	p0 =	sne.s32 s0, $0x0;
	_ =	strace $0x90000047  }
0x24: {  	s0 =	sadd.s32 @!p0 $0x100000, s1;
	[bflag:$0x2] =	sbarrier.arrive $0xFFFF  }
0x25: {  	[sflag:s0] =	ssyncadd.tile.s32 @!p0 $0x1;
	_ =	shalt  }
.Lfunc_end2:
_tile_overlayer_lowered:
.L_overlay_start_2:
0x26: {  	(tag) =	ssettag $0x2  }
0x27: {  	s0 =	rddreg [dreg:$0x0];
	s2 =	stileid.u32  }
0x28: {  	s1 =	rddreg [dreg:$0x1];
	p0 =	sne.s32 s2, $0x0  }
0x29: {  	s3 =	rddreg [dreg:$0x2];
	[bflag:$0x3] =	sbarrier.arrive $0xFFFF;
	s2 =	simm.s32 @!p0 $0x1C01  }
0x2a: {  	[timem:s3], [sflag:s2] =	dma.local @!p0 [hbm:s0], s1  }
0x2b: {  	s0 =	simm.s32 @!p0 $0x1  }
0x2c: {  	_ =	swait.ge @!p0 [sflag:s0], s1  }
0x2d: {  	s1 =	ssub.s32 @!p0 $0x0, s1;
	[sflag:s0] =	ssyncset.done @!p0 $0x0  }
0x2e: {  	[sflag:s0] =	ssyncadd.s32 @!p0 s1  }
0x2f: {  	[bflag:$0x3] =	sbarrier.arrive $0xFFFF  }
0x30: {  	_ =	shalt  }

// kernel: kernel.9.cloned.1.call-start
scs
__scs_entry_jumppad:
0x0: {  	(pc) =	sbr.rel $0x88, $3  }
0x1: {  	(tag) =	ssettag $0x0;
	lr =	simm.s32 $0x1  }
0x2: {  	[smem:$0x3F9C] =	sst lr;
	_ =	strace $0xD0000000  }
0x3: {  	_ = 	snop  }
0x4: {  	_ = 	snop  }
0x5: {  	_ = 	snop  }
0x6: {  	_ = 	snop  }
0x7: {  	_ = 	snop  }
__scs_overlays_trampoline_lowered:
0x8: {  	[smem:$0x3FAB] =	sst s0  }
0x9: {  	[smem:$0x3FAC] =	sst s1  }
0xa: {  	[smem:$0x3FAD] =	sst s2  }
0xb: {  	[smem:$0x3FAE] =	sst s3  }
0xc: {  	[smem:$0x3FAF] =	sst s4  }
0xd: {  	[smem:$0x3FB0] =	sst s5  }
0xe: {  	[smem:$0x3FB1] =	sst s6  }
0xf: {  	[smem:$0x3FB2] =	sst s7  }
0x10: {  	[smem:$0x3FB3] =	sst s8  }
0x11: {  	[smem:$0x3FB4] =	sst s9;
	s0 =	simm.s32 @!p0 $0x0  }
0x12: {  	s1 =	sld [smem:$0x3F9A];
	s0 =	simm.s32 @p0 $0x1  }
0x13: {  	[smem:$0x3FB5] =	sst s0;
	s0 =	simm.s32 @!p1 $0x0  }
0x14: {  	s2 =	sld [smem:$0x3F99];
	s0 =	simm.s32 @p1 $0x1  }
0x15: {  	[smem:$0x3FB6] =	sst s0;
	s0 =	simm.s32 @!p2 $0x0  }
0x16: {  	s3 =	sld [smem:$0x3FDB];
	s0 =	simm.s32 @p2 $0x1  }
0x17: {  	s4 =	simm.s32 $0x1BF5;
	[smem:$0x3FB8] =	sst s0  }
0x18: {  	s0 =	sld [smem:$0x3F9B];
	_ =	swait.ge [sflag:s4], $0x0  }
0x19: {  	s7 =	sld [smem:$0x3F9C]  }
0x1a: {  	s8 =	sadd.s32 $0xFFFFE003, lr  }
0x1b: {  	s9 =	sadd.s32 $0xFFFFFEF7, lr;
	s5 =	simm.s32 $0xFFFFFFFF;
	p2 =	slt.u32 s8, $0xFFFFF086  }
0x1c: {  	p1 =	slt.u32 s9, $0xF7A;
	s5 =	simm.s32 @!p2 $0x0  }
0x1d: {  	s5 =	simm.s32 @p1 $0x1;
	p0 =	seq.s32 s7, s2  }
0x1e: {  	s7 =	smul.u32 @!p0 $0xF7A, s2;
	p2 =	seq.s32 @!p0 s5, $0x0  }
0x1f: {  	s9 =	smul.u32 $0xF7A, s1;
	s8 =	simm.s32 @!p0 $0x1BF5;
	p2 =	por !p2, p0  }
0x20: {  	[sflag:s8] =	ssyncset.s32 @!p0 $0xFFFFF086;
	s6 =	sadd.s32 @!p0 s3, s7;
	s7 =	simm.s32 @!p0 $0x108  }
0x21: {  	s3 =	sadd.s32 s3, s9;
	s6 =	sadd.s32 @!p0 $0x88, s6;
	s7 =	simm.s32 @p2 $0x1082  }
0x22: {  	[simem:s7], [sflag:s8] =	dma.local @!p0 [hbm:s6], $0xF7A  }
0x23: {  	s9 =	sor.u32 $0xD0000000, s2;
	s6 =	simm.s32 $0x108;
	_ =	swait.ge @!p0 [sflag:s8], $0x0  }
0x24: {  	s3 =	sadd.s32 $0x88, s3;
	s6 =	simm.s32 @!p1 $0x1082;
	[sflag:s4] =	ssyncset.s32 $0xFFFFF086  }
0x25: {  	[simem:s6], [sflag:s4] =	dma.local [hbm:s3], $0xF7A  }
0x26: {  	[smem:$0x3F9C] =	sst s1;
	(tag) =	ssettag s2;
	_ =	strace s9  }
0x27: {  	s1 =	sld [smem:$0x3FAC]  }
0x28: {  	s2 =	sld [smem:$0x3FAD]  }
0x29: {  	s4 =	sld [smem:$0x3FAF]  }
0x2a: {  	p0 =	seq.s32 s5, $0x0;
	s5 =	sld [smem:$0x3FB0]  }
0x2b: {  	s6 =	sld [smem:$0x3FB1]  }
0x2c: {  	s7 =	sld [smem:$0x3FB2]  }
0x2d: {  	s3 =	simm.s32 $0x108;
	s8 =	sld [smem:$0x3FB3]  }
0x2e: {  	s3 =	simm.s32 @!p0 $0x1082;
	s9 =	sld [smem:$0x3FB4]  }
0x2f: {  	lr =	sadd.s32 s0, s3;
	s0 =	sld [smem:$0x3FAB]  }
0x30: {  	s3 =	sld [smem:$0x3FAE]  }
0x31: {  	[smem:$0x3FB7] =	sst s10  }
0x32: {  	s10 =	sld [smem:$0x3FB5];
	_ =	sdelay $0x3  }
0x33: {  	p0 =	seq.s32 s10, $0x1;
	s10 =	sld [smem:$0x3FB7];
	_ =	sdelay $0x3  }
0x34: {  	[smem:$0x3FB7] =	sst s10  }
0x35: {  	s10 =	sld [smem:$0x3FB6];
	_ =	sdelay $0x3  }
0x36: {  	p1 =	seq.s32 s10, $0x1;
	s10 =	sld [smem:$0x3FB7];
	_ =	sdelay $0x3  }
0x37: {  	[smem:$0x3FB7] =	sst s10  }
0x38: {  	s10 =	sld [smem:$0x3FB8]  }
0x39: {  	_ = 	snop;
	(pc) =	sbr.ind lr, $3  }
0x3a: {  	_ = 	snop  }
0x3b: {  	_ = 	snop  }
0x3c: {  	p2 =	seq.s32 s10, $0x1;
	s10 =	sld [smem:$0x3FB7]  }
0x3d: {  	_ =	shalt  }
0x3e: {  	_ =	shalt  }
0x3f: {  	_ =	shalt  }
0x40: {  	_ =	shalt  }
0x41: {  	_ =	shalt  }
0x42: {  	_ =	shalt  }
0x43: {  	_ =	shalt  }
0x44: {  	_ =	shalt  }
0x45: {  	_ =	shalt  }
0x46: {  	_ =	shalt  }
0x47: {  	_ =	shalt  }
0x48: {  	_ =	shalt  }
0x49: {  	_ =	shalt  }
0x4a: {  	_ =	shalt  }
0x4b: {  	_ =	shalt  }
0x4c: {  	_ =	shalt  }
0x4d: {  	_ =	shalt  }
0x4e: {  	_ =	shalt  }
0x4f: {  	_ =	shalt  }
0x50: {  	_ =	shalt  }
0x51: {  	_ =	shalt  }
0x52: {  	_ =	shalt  }
0x53: {  	_ =	shalt  }
0x54: {  	_ =	shalt  }
0x55: {  	_ =	shalt  }
0x56: {  	_ =	shalt  }
0x57: {  	_ =	shalt  }
0x58: {  	_ =	shalt  }
0x59: {  	_ =	shalt  }
0x5a: {  	_ =	shalt  }
0x5b: {  	_ =	shalt  }
0x5c: {  	_ =	shalt  }
0x5d: {  	_ =	shalt  }
0x5e: {  	_ =	shalt  }
0x5f: {  	_ =	shalt  }
0x60: {  	_ =	shalt  }
0x61: {  	_ =	shalt  }
0x62: {  	_ =	shalt  }
0x63: {  	_ =	shalt  }
0x64: {  	_ =	shalt  }
0x65: {  	_ =	shalt  }
0x66: {  	_ =	shalt  }
0x67: {  	_ =	shalt  }
0x68: {  	_ =	shalt  }
0x69: {  	_ =	shalt  }
0x6a: {  	_ =	shalt  }
0x6b: {  	_ =	shalt  }
0x6c: {  	_ =	shalt  }
0x6d: {  	_ =	shalt  }
0x6e: {  	_ =	shalt  }
0x6f: {  	_ =	shalt  }
0x70: {  	_ =	shalt  }
0x71: {  	_ =	shalt  }
0x72: {  	_ =	shalt  }
0x73: {  	_ =	shalt  }
0x74: {  	_ =	shalt  }
0x75: {  	_ =	shalt  }
0x76: {  	_ =	shalt  }
0x77: {  	_ =	shalt  }
0x78: {  	_ =	shalt  }
0x79: {  	_ =	shalt  }
0x7a: {  	_ =	shalt  }
0x7b: {  	_ =	shalt  }
0x7c: {  	_ =	shalt  }
0x7d: {  	_ =	shalt  }
0x7e: {  	_ =	shalt  }
0x7f: {  	_ =	shalt  }
0x80: {  	_ =	shalt  }
0x81: {  	_ =	shalt  }
0x82: {  	_ =	shalt  }
0x83: {  	_ =	shalt  }
0x84: {  	_ =	shalt  }
0x85: {  	_ =	shalt  }
0x86: {  	_ =	shalt  }
0x87: {  	_ =	shalt  }
.Lfunc_end0:
.L_simem_size_0:
called_computation.1_lowered:
.L_overlay_start_0:
0x88: {  	s2 =	sld [smem:$0x3FD9]  }
0x89: {  	s3 =	sld [smem:$0x3FFE];
	_ =	sdelay $0x1  }
0x8a: {  	s1 =	srdreg.scid  }
0x8b: {  	s0 =	sand.u32 $0x1, s1  }
0x8c: {  	s16 =	sshll.u32 s0, $0xA;
	s2 =	sadd.s32 s3, s2  }
0x8d: {  	s2 =	sadd.s32 s2, s16  }
0x8e: {  	[smem:$0x3FC3] =	sst s2  }
0x8f: {  	_ = 	snop  }
0x90: {  	(tm) =	ssettm $0x1  }
0x91: {  	s17 =	sld [smem:$0x3FFB];
	_ =	sdelay $0x3  }
0x92: {  	_ =	strace s17  }
0x93: {  	s2 =	sld [smem:$0x3FFC];
	_ =	sdelay $0x3  }
0x94: {  	_ =	strace s2  }
0x95: {  	s2 =	sld [smem:$0x3FFD];
	_ =	sdelay $0x3  }
0x96: {  	_ =	strace s2  }
0x97: {  	_ =	strace $0x8FFFFFFF  }
0x98: {  	s18 =	sld [smem:$0x3FDB];
	_ =	sdelay $0x1  }
0x99: {  	s19 =	simm.s32 $_scs_section_size  }
0x9a: {  	s4 =	simm.s32 $_size__tile_overlayer_lowered;
	s5 =	simm.s32 $_tile_overlayer_lowered  }
0x9b: {  	s22 =	simm.s32 $0x1BFF;
	s21 =	sshll.u32 s5, $0x1;
	s2 =	sadd.s32 s19, s18  }
0x9c: {  	s6 =	simm.s32 $0x0;
	s20 =	sshll.u32 s4, $0x1;
	s4 =	sadd.s32 s21, s2  }
0x9d: {  	[timem:s6], [sflag:s22] =	dma.local [hbm:s4], s20  }
0x9e: {  	_ =	swait.ge [sflag:s22], s20  }
0x9f: {  	s3 =	ssub.s32 $0x0, s20;
	[sflag:s22] =	ssyncset.done $0x0  }
0xa0: {  	[sflag:s22] =	ssyncadd.s32 s3;
	_ =	sdelay $0x1  }
0xa1: {  	s23 =	simm.s32 $0x1B8B  }
0xa2: {  	_ =	swait.ge [sflag:s23], $0x1  }
0xa3: {  	[sflag:s23] =	ssyncset.done $0x0  }
0xa4: {  	s25 =	simm.s32 $0x1B8E;
	s24 =	sld [smem:$0x3FFE];
	[sflag:s23] =	ssyncadd.s32 $0xFFFFFFFF  }
0xa5: {  	s26 =	simm.s32 $execute0_lowered;
	[smem:$0x3FD2] =	sst s25  }
0xa6: {  	s4 =	sshll.u32 s26, $0x1;
	_ =	strace $0x80000049;
	[dreg:$0x1] =	wrdreg $0xFFFFFFFF  }
0xa7: {  	s28 =	simm.s32 $_size_execute0_lowered;
	s2 =	sadd.s32 s2, s4;
	[dreg:$0x0] =	wrdreg $0x0  }
0xa8: {  	s4 =	sshll.u32 s28, $0x1;
	[dreg:$0x2] =	wrdreg s2  }
0xa9: {  	[dreg:$0x3] =	wrdreg s4  }
0xaa: {  	[dreg:$0x4] =	wrdreg $0xC0  }
0xab: {  	_ =	task [dreg:s6], $0x5FFFF  }
0xac: {  	[dreg:$0x1] =	wrdreg $0xFFFFFFFF  }
0xad: {  	[dreg:$0x0] =	wrdreg $0x60  }
0xae: {  	[dreg:$0x2] =	wrdreg s24  }
0xaf: {  	[dreg:$0x3] =	wrdreg $0x0  }
0xb0: {  	[dreg:$0x4] =	wrdreg $0x9  }
0xb1: {  	_ =	task.clear_ibuf [dreg:s6], $0x5FFFF;
	_ =	strace $0x90000049  }
0xb2: {  	s29 =	simm.s32 $0x9;
	_ =	strace $0x8000004B  }
0xb3: {  	_ =	swait.ge [sflag:s29], $0x1  }
0xb4: {  	[sflag:s29] =	ssyncadd.s32 $0xFFFFFFFF  }
0xb5: {  	_ =	strace $0x9000004B  }
0xb6: {  	_ =	sfence  }
0xb7: {  	s30 =	sld [smem:$0x0];
	_ =	sdelay $0x2  }
0xb8: {  	s31 =	sshll.u32 s1, $0xD;
	s1 =	sshrl.u32 s1, $0x2  }
0xb9: {  	s3 =	sand.u32 $0x4000, s31;
	s1 =	sadd.s32 s1, s30  }
0xba: {  	s0 =	sor.u32 s3, s0;
	s1 =	sshll.u32 s1, $0x11  }
0xbb: {  	s0 =	sor.u32 s1, s0  }
0xbc: {  	s0 =	sadd.s32 $0x8F2B, s0  }
0xbd: {  	[sflag:s0] =	ssyncadd.remote.s32 $0x1  }
0xbe: {  	_ =	sfence.sel $0xFFFF  }
0xbf: {  	[dreg:$0x0] =	wrdreg $0xFFFFFFFF;
	(pc) =	sbr.abs _section_cstart, $3  }
0xc0: {  	[dreg:$0x1] =	wrdreg $0xFFFFFFFF  }
0xc1: {  	_ =	task.clear_ibuf [dreg:s6], $0x2FFFF;
	_ =	strace $0x9FFFFFFF  }
0xc2: {  	(tm) =	ssettm $0x7FFFFFFF  }
0xc3: {  	_ =	shalt  }
tec
execute0_lowered:
.L_overlay_start_1:
0x0: {  	(tag) =	ssettag $0x1  }
0x1: {  	s5 =	rddreg [dreg:$0x0]  }
0x2: {  	s2 =	rddreg [dreg:$0x1]  }
0x3: {  	s0 =	rddreg [dreg:$0x2];
	s1 =	stileid.u32  }
0x4: {  	s4 =	srdreg.scid;
	s3 =	simm.s32 $0x0;
	s16 =	simm.s32 $0x15400  }
0x5: {  	s17 =	simm.s32 $0x80;
	s18 =	simm.s32 $0x16800;
	s19 =	simm.s32 $0x1A800  }
0x6: {  	s20 =	simm.s32 $0x1;
	s21 =	simm.s32 $0x2;
	s22 =	simm.s32 $0x15380  }
0x7: {  	s6 =	smul.u32 $0x14000, s1;
	s7 =	sand.u32 $0x1, s4;
	[smem:$0x7FF] =	sst s3  }
0x8: {  	s4 =	sadd.s32 $0x15A00, s5;
	s11 =	sadd.s32 $0x1A00, s5;
	s12 =	sadd.s32 $0xBA00, s5  }
0x9: {  	s13 =	sshll.u32 s1, $0x1;
	s14 =	smul.u32 $0x50000, s1;
	s28 =	sshll.u32 s1, $0x6  }
0xa: {  	s8 =	smul.u32 $0x140000, s7;
	_ =	strace $0x8000004A;
	s24 =	ssub.s32 $0x2, s7  }
0xb: {  	s25 =	sor.u32 s7, s13;
	s9 =	sshrl.u32 s6, $0x3;
	s10 =	sshrl.u32 s24, $0x1  }
0xc: {  	s26 =	sshrl.u32 s14, $0x2;
	s29 =	smul.u32 $0x2800, s25;
	s25 =	simm.s32 $0x0  }
0xd: {  	s6 =	sadd.s32 s6, s8;
	s23 =	sadd.s32 s9, s5;
	s9 =	ssub.s32 s24, s10  }
0xe: {  	s30 =	sadd.s32 s26, s2;
	s24 =	simm.s32 $0x16780;
	s6 =	sshrl.u32 s6, $0x3  }
0xf: {  	s8 =	smax.u32 s9, $0x1;
	s31 =	sshrl.u32 s29, $0x3;
	s13 =	sshrl.u32 s30, $0x3  }
0x10: {  	s15 =	sadd.s32 s6, s5;
	s5 =	sadd.s32 $0x3DA00, s23;
	s6 =	sor.u32 $0x1C03, s28  }
0x11: {  	s9 =	sadd.s32 s11, s31;
	s10 =	sadd.s32 s12, s31;
	s14 =	sadd.s32 $0x280, s31  }
0x12: {  	s23 =	simm.s32 $0x16700;
	s7 =	sadd.s32 $0x65A00, s15;
	s11 =	sadd.s32 s11, s14  }
0x13: {  	s12 =	sadd.s32 s12, s14;
	s14 =	simm.s32 $0x3;
	s15 =	simm.s32 $0x14000  }
.LBB2_1:
0x14: {  	[spmem:s13], [sflag:s6] =	dma.local [hbm:s5], $0x2800  }
0x15: {  	_ =	swait.ge [sflag:s14], $0x2800  }
0x16: {  	[sflag:s14] =	ssyncset.done $0x0  }
0x17: {  	[sflag:s14] =	ssyncadd.s32 $0xFFFFD800  }
0x18: {  	[bflag:$0x0] =	sbarrier.arrive $0xFFFF  }
0x19: {  	[tilespmem:s15], [sflag:$0x3] =	stream.linear.gather [hbm4b:s9+s3], $0x1400, $0x38;
	[tilespmem:$0x1E800] =	vst v63  }
0x1a: {  	_ =	swait.ge [sflag:s14], $0x1400  }
0x1b: {  	[sflag:s14] =	ssyncset.done $0x0  }
0x1c: {  	[sflag:s14] =	ssyncadd.s32 $0xFFFFEC00  }
0x1d: {  	[tilespmem:s16], [sflag:$0x3] =	stream.linear.gather [hbm4b:s10+s3], $0x1400, $0x38;
	[tilespmem:$0x1E800] =	vst v63  }
0x1e: {  	_ =	swait.ge [sflag:s14], $0x1400  }
0x1f: {  	[sflag:s14] =	ssyncset.done $0x0  }
0x20: {  	[sflag:s14] =	ssyncadd.s32 $0xFFFFEC00  }
0x21: {  	[tilespmem:s18], [sflag:$0x1] =	stream.indirect.gather [hbm4b:s4+s17], $0x80, s15, s17, $0xb8;
	[tilespmem:$0x1E800] =	vst v63  }
0x22: {  	s26 =	simm.s32 $0x14080  }
0x23: {  	[tilespmem:s19], [sflag:$0x2] =	stream.indirect.gather [hbm4b:s4+s17], $0x80, s26, s17, $0xb8;
	[tilespmem:$0x1E800] =	vst v63  }
0x24: {  	_ =	swait.ge [sflag:s20], $0x4000  }
0x25: {  	[sflag:s20] =	ssyncset.done $0x0  }
0x26: {  	s29 =	simm.s32 $0x15400;
	[sflag:s20] =	ssyncadd.s32 $0xFFFFC000  }
0x27: {  	[spmem:s2] =	stream.indirect.scatter.add.f32 [tilespmem:s18], [sflag:$0x3], $0x80, s29, s17, $0xb8;
	[tilespmem:$0x1E800] =	vst v63  }
0x28: {  	_ =	swait.ge [sflag:s14], $0x4000  }
0x29: {  	[sflag:s14] =	ssyncset.done $0x0  }
0x2a: {  	s30 =	simm.s32 $0x14100;
	[sflag:s14] =	ssyncadd.s32 $0xFFFFC000  }
0x2b: {  	[tilespmem:s18], [sflag:$0x1] =	stream.indirect.gather [hbm4b:s4+s17], $0x80, s30, s17, $0xb8;
	[tilespmem:$0x1E800] =	vst v63  }
0x2c: {  	_ =	swait.ge [sflag:s21], $0x4000  }
0x2d: {  	[sflag:s21] =	ssyncset.done $0x0  }
0x2e: {  	s31 =	simm.s32 $0x15480;
	[sflag:s21] =	ssyncadd.s32 $0xFFFFC000  }
0x2f: {  	[spmem:s2] =	stream.indirect.scatter.add.f32 [tilespmem:s19], [sflag:$0x3], $0x80, s31, s17, $0xb8;
	[tilespmem:$0x1E800] =	vst v63  }
0x30: {  	_ =	swait.ge [sflag:s14], $0x4000  }
0x31: {  	s28 =	simm.s32 $0x800;
	s26 =	simm.s32 $0x100;
	[sflag:s14] =	ssyncset.done $0x0  }
.LBB2_2:
0x32: {  	s29 =	sadd.s32 $0x14080, s26  }
0x33: {  	[sflag:s14] =	ssyncadd.s32 $0xFFFFC000;
	s30 =	smov.u32 s28;
	s31 =	sadd.s32 $0x400, s28  }
0x34: {  	[tilespmem:s19], [sflag:$0x2] =	stream.indirect.gather [hbm4b:s4+s17], $0x80, s29, s17, $0xb8;
	[tilespmem:$0x1E800] =	vst v63  }
0x35: {  	p0 =	sne.s32 s28, $0x4800;
	_ =	swait.ge [sflag:s20], $0x4000  }
0x36: {  	[sflag:s20] =	ssyncset.done $0x0  }
0x37: {  	s28 =	sadd.s32 $0x15400, s26;
	[sflag:s20] =	ssyncadd.s32 $0xFFFFC000  }
0x38: {  	[spmem:s2] =	stream.indirect.scatter.add.f32 [tilespmem:s18], [sflag:$0x3], $0x80, s28, s17, $0xb8;
	[tilespmem:$0x1E800] =	vst v63  }
0x39: {  	_ =	swait.ge [sflag:s14], $0x4000  }
0x3a: {  	[sflag:s14] =	ssyncset.done $0x0  }
0x3b: {  	s28 =	sadd.s32 $0x14100, s26;
	[sflag:s14] =	ssyncadd.s32 $0xFFFFC000  }
0x3c: {  	[tilespmem:s18], [sflag:$0x1] =	stream.indirect.gather [hbm4b:s4+s17], $0x80, s28, s17, $0xb8;
	[tilespmem:$0x1E800] =	vst v63  }
0x3d: {  	_ =	swait.ge [sflag:s21], $0x4000  }
.Ltmp0:
0x3e: {  	[sflag:s21] =	ssyncset.done $0x0;
	(pc) =	sbr.rel @p0 .LBB2_2-.Ltmp0, $4  }
0x3f: {  	s26 =	sadd.s32 $0x15480, s26;
	[sflag:s21] =	ssyncadd.s32 $0xFFFFC000  }
0x40: {  	[spmem:s2] =	stream.indirect.scatter.add.f32 [tilespmem:s19], [sflag:$0x3], $0x80, s26, s17, $0xb8;
	[tilespmem:$0x1E800] =	vst v63  }
0x41: {  	_ =	swait.ge [sflag:s14], $0x4000  }
0x42: {  	s28 =	smov.u32 s31;
	s26 =	sshra.s32 s30, $0x2;
	[sflag:s14] =	ssyncset.done $0x0  }
0x43: {  	s28 =	sadd.s32 $0x14080, s26;
	[sflag:s14] =	ssyncadd.s32 $0xFFFFC000  }
0x44: {  	[tilespmem:s19], [sflag:$0x2] =	stream.indirect.gather [hbm4b:s4+s17], $0x80, s28, s17, $0xb8;
	[tilespmem:$0x1E800] =	vst v63  }
0x45: {  	_ =	swait.ge [sflag:s20], $0x4000  }
0x46: {  	[sflag:s20] =	ssyncset.done $0x0  }
0x47: {  	s28 =	sadd.s32 $0x15400, s26;
	[sflag:s20] =	ssyncadd.s32 $0xFFFFC000  }
0x48: {  	[spmem:s2] =	stream.indirect.scatter.add.f32 [tilespmem:s18], [sflag:$0x3], $0x80, s28, s17, $0xb8;
	[tilespmem:$0x1E800] =	vst v63  }
0x49: {  	_ =	swait.ge [sflag:s14], $0x4000  }
0x4a: {  	[sflag:s14] =	ssyncset.done $0x0  }
0x4b: {  	s28 =	sadd.s32 $0x14100, s26;
	[sflag:s14] =	ssyncadd.s32 $0xFFFFC000  }
0x4c: {  	[tilespmem:s18], [sflag:$0x1] =	stream.indirect.gather [hbm4b:s4+s17], $0x80, s28, s17, $0xb8;
	[tilespmem:$0x1E800] =	vst v63  }
0x4d: {  	_ =	swait.ge [sflag:s21], $0x4000  }
0x4e: {  	[sflag:s21] =	ssyncset.done $0x0  }
0x4f: {  	s29 =	sadd.s32 $0x15480, s26;
	[sflag:s21] =	ssyncadd.s32 $0xFFFFC000  }
0x50: {  	[spmem:s2] =	stream.indirect.scatter.add.f32 [tilespmem:s19], [sflag:$0x3], $0x80, s29, s17, $0xb8;
	[tilespmem:$0x1E800] =	vst v63  }
0x51: {  	_ =	swait.ge [sflag:s14], $0x4000  }
0x52: {  	[sflag:s14] =	ssyncset.done $0x0  }
0x53: {  	[sflag:s14] =	ssyncadd.s32 $0xFFFFC000  }
0x54: {  	[tilespmem:s19], [sflag:$0x2] =	stream.indirect.gather [hbm4b:s4+s17], $0x80, s22, s17, $0xb8;
	[tilespmem:$0x1E800] =	vst v63  }
0x55: {  	_ =	swait.ge [sflag:s20], $0x4000  }
0x56: {  	[sflag:s20] =	ssyncset.done $0x0  }
0x57: {  	[sflag:s20] =	ssyncadd.s32 $0xFFFFC000  }
0x58: {  	[spmem:s2] =	stream.indirect.scatter.add.f32 [tilespmem:s18], [sflag:$0x3], $0x80, s23, s17, $0xb8;
	[tilespmem:$0x1E800] =	vst v63  }
0x59: {  	_ =	swait.ge [sflag:s14], $0x4000  }
0x5a: {  	[sflag:s14] =	ssyncset.done $0x0  }
0x5b: {  	[sflag:s14] =	ssyncadd.s32 $0xFFFFC000  }
0x5c: {  	_ =	swait.ge [sflag:s21], $0x4000  }
0x5d: {  	[sflag:s21] =	ssyncset.done $0x0  }
0x5e: {  	[sflag:s21] =	ssyncadd.s32 $0xFFFFC000  }
0x5f: {  	[spmem:s2] =	stream.indirect.scatter.add.f32 [tilespmem:s19], [sflag:$0x3], $0x80, s24, s17, $0xb8;
	[tilespmem:$0x1E800] =	vst v63  }
0x60: {  	_ =	swait.ge [sflag:s14], $0x4000  }
0x61: {  	[sflag:s14] =	ssyncset.done $0x0  }
0x62: {  	s30 =	simm.s32 $0x0;
	[sflag:s14] =	ssyncadd.s32 $0xFFFFC000  }
0x63: {  	[tilespmem:s15], [sflag:$0x3] =	stream.linear.gather [hbm4b:s11+s30], $0x1400, $0x38;
	[tilespmem:$0x1E800] =	vst v63  }
0x64: {  	_ =	swait.ge [sflag:s14], $0x1400  }
0x65: {  	[sflag:s14] =	ssyncset.done $0x0  }
0x66: {  	[sflag:s14] =	ssyncadd.s32 $0xFFFFEC00  }
0x67: {  	[tilespmem:s16], [sflag:$0x3] =	stream.linear.gather [hbm4b:s12+s30], $0x1400, $0x38;
	[tilespmem:$0x1E800] =	vst v63  }
0x68: {  	_ =	swait.ge [sflag:s14], $0x1400  }
0x69: {  	[sflag:s14] =	ssyncset.done $0x0  }
0x6a: {  	[sflag:s14] =	ssyncadd.s32 $0xFFFFEC00  }
0x6b: {  	[tilespmem:s18], [sflag:$0x1] =	stream.indirect.gather [hbm4b:s4+s17], $0x80, s15, s17, $0xb8;
	[tilespmem:$0x1E800] =	vst v63  }
0x6c: {  	s31 =	simm.s32 $0x14080  }
0x6d: {  	[tilespmem:s19], [sflag:$0x2] =	stream.indirect.gather [hbm4b:s4+s17], $0x80, s31, s17, $0xb8;
	[tilespmem:$0x1E800] =	vst v63  }
0x6e: {  	_ =	swait.ge [sflag:s20], $0x4000  }
0x6f: {  	[sflag:s20] =	ssyncset.done $0x0  }
0x70: {  	s29 =	simm.s32 $0x15400;
	[sflag:s20] =	ssyncadd.s32 $0xFFFFC000  }
0x71: {  	[spmem:s2] =	stream.indirect.scatter.add.f32 [tilespmem:s18], [sflag:$0x3], $0x80, s29, s17, $0xb8;
	[tilespmem:$0x1E800] =	vst v63  }
0x72: {  	_ =	swait.ge [sflag:s14], $0x4000  }
0x73: {  	[sflag:s14] =	ssyncset.done $0x0  }
0x74: {  	s30 =	simm.s32 $0x14100;
	[sflag:s14] =	ssyncadd.s32 $0xFFFFC000  }
0x75: {  	[tilespmem:s18], [sflag:$0x1] =	stream.indirect.gather [hbm4b:s4+s17], $0x80, s30, s17, $0xb8;
	[tilespmem:$0x1E800] =	vst v63  }
0x76: {  	_ =	swait.ge [sflag:s21], $0x4000  }
0x77: {  	[sflag:s21] =	ssyncset.done $0x0  }
0x78: {  	s31 =	simm.s32 $0x15480;
	[sflag:s21] =	ssyncadd.s32 $0xFFFFC000  }
0x79: {  	[spmem:s2] =	stream.indirect.scatter.add.f32 [tilespmem:s19], [sflag:$0x3], $0x80, s31, s17, $0xb8;
	[tilespmem:$0x1E800] =	vst v63  }
0x7a: {  	_ =	swait.ge [sflag:s14], $0x4000  }
0x7b: {  	s26 =	simm.s32 $0x100;
	s28 =	simm.s32 $0x800;
	[sflag:s14] =	ssyncset.done $0x0  }
.LBB2_4:
0x7c: {  	s29 =	sadd.s32 $0x14080, s26  }
0x7d: {  	[sflag:s14] =	ssyncadd.s32 $0xFFFFC000;
	s30 =	smov.u32 s28;
	s31 =	sadd.s32 $0x400, s28  }
0x7e: {  	[tilespmem:s19], [sflag:$0x2] =	stream.indirect.gather [hbm4b:s4+s17], $0x80, s29, s17, $0xb8;
	[tilespmem:$0x1E800] =	vst v63  }
0x7f: {  	p0 =	sne.s32 s28, $0x4800;
	_ =	swait.ge [sflag:s20], $0x4000  }
0x80: {  	[sflag:s20] =	ssyncset.done $0x0  }
0x81: {  	s28 =	sadd.s32 $0x15400, s26;
	[sflag:s20] =	ssyncadd.s32 $0xFFFFC000  }
0x82: {  	[spmem:s2] =	stream.indirect.scatter.add.f32 [tilespmem:s18], [sflag:$0x3], $0x80, s28, s17, $0xb8;
	[tilespmem:$0x1E800] =	vst v63  }
0x83: {  	_ =	swait.ge [sflag:s14], $0x4000  }
0x84: {  	[sflag:s14] =	ssyncset.done $0x0  }
0x85: {  	s28 =	sadd.s32 $0x14100, s26;
	[sflag:s14] =	ssyncadd.s32 $0xFFFFC000  }
0x86: {  	[tilespmem:s18], [sflag:$0x1] =	stream.indirect.gather [hbm4b:s4+s17], $0x80, s28, s17, $0xb8;
	[tilespmem:$0x1E800] =	vst v63  }
0x87: {  	_ =	swait.ge [sflag:s21], $0x4000  }
.Ltmp1:
0x88: {  	[sflag:s21] =	ssyncset.done $0x0;
	(pc) =	sbr.rel @p0 .LBB2_4-.Ltmp1, $4  }
0x89: {  	s26 =	sadd.s32 $0x15480, s26;
	[sflag:s21] =	ssyncadd.s32 $0xFFFFC000  }
0x8a: {  	[spmem:s2] =	stream.indirect.scatter.add.f32 [tilespmem:s19], [sflag:$0x3], $0x80, s26, s17, $0xb8;
	[tilespmem:$0x1E800] =	vst v63  }
0x8b: {  	_ =	swait.ge [sflag:s14], $0x4000  }
0x8c: {  	s28 =	smov.u32 s31;
	s26 =	sshra.s32 s30, $0x2;
	[sflag:s14] =	ssyncset.done $0x0  }
0x8d: {  	s28 =	sadd.s32 $0x14080, s26;
	[sflag:s14] =	ssyncadd.s32 $0xFFFFC000  }
0x8e: {  	[tilespmem:s19], [sflag:$0x2] =	stream.indirect.gather [hbm4b:s4+s17], $0x80, s28, s17, $0xb8;
	[tilespmem:$0x1E800] =	vst v63  }
0x8f: {  	_ =	swait.ge [sflag:s20], $0x4000  }
0x90: {  	[sflag:s20] =	ssyncset.done $0x0  }
0x91: {  	s29 =	sadd.s32 $0x15400, s26;
	[sflag:s20] =	ssyncadd.s32 $0xFFFFC000  }
0x92: {  	[spmem:s2] =	stream.indirect.scatter.add.f32 [tilespmem:s18], [sflag:$0x3], $0x80, s29, s17, $0xb8;
	[tilespmem:$0x1E800] =	vst v63  }
0x93: {  	_ =	swait.ge [sflag:s14], $0x4000  }
0x94: {  	[sflag:s14] =	ssyncset.done $0x0  }
0x95: {  	s30 =	sadd.s32 $0x14100, s26;
	[sflag:s14] =	ssyncadd.s32 $0xFFFFC000  }
0x96: {  	[tilespmem:s18], [sflag:$0x1] =	stream.indirect.gather [hbm4b:s4+s17], $0x80, s30, s17, $0xb8;
	[tilespmem:$0x1E800] =	vst v63  }
0x97: {  	_ =	swait.ge [sflag:s21], $0x4000  }
0x98: {  	[sflag:s21] =	ssyncset.done $0x0  }
0x99: {  	s31 =	sadd.s32 $0x15480, s26;
	[sflag:s21] =	ssyncadd.s32 $0xFFFFC000  }
0x9a: {  	[spmem:s2] =	stream.indirect.scatter.add.f32 [tilespmem:s19], [sflag:$0x3], $0x80, s31, s17, $0xb8;
	[tilespmem:$0x1E800] =	vst v63  }
0x9b: {  	_ =	swait.ge [sflag:s14], $0x4000  }
0x9c: {  	[sflag:s14] =	ssyncset.done $0x0  }
0x9d: {  	[sflag:s14] =	ssyncadd.s32 $0xFFFFC000  }
0x9e: {  	[tilespmem:s19], [sflag:$0x2] =	stream.indirect.gather [hbm4b:s4+s17], $0x80, s22, s17, $0xb8;
	[tilespmem:$0x1E800] =	vst v63  }
0x9f: {  	_ =	swait.ge [sflag:s20], $0x4000  }
0xa0: {  	[sflag:s20] =	ssyncset.done $0x0  }
0xa1: {  	[sflag:s20] =	ssyncadd.s32 $0xFFFFC000  }
0xa2: {  	[spmem:s2] =	stream.indirect.scatter.add.f32 [tilespmem:s18], [sflag:$0x3], $0x80, s23, s17, $0xb8;
	[tilespmem:$0x1E800] =	vst v63  }
0xa3: {  	_ =	swait.ge [sflag:s14], $0x4000  }
0xa4: {  	[sflag:s14] =	ssyncset.done $0x0  }
0xa5: {  	[sflag:s14] =	ssyncadd.s32 $0xFFFFC000  }
0xa6: {  	_ =	swait.ge [sflag:s21], $0x4000  }
0xa7: {  	[sflag:s21] =	ssyncset.done $0x0  }
0xa8: {  	[sflag:s21] =	ssyncadd.s32 $0xFFFFC000  }
0xa9: {  	[spmem:s2] =	stream.indirect.scatter.add.f32 [tilespmem:s19], [sflag:$0x3], $0x80, s24, s17, $0xb8;
	[tilespmem:$0x1E800] =	vst v63  }
0xaa: {  	_ =	swait.ge [sflag:s14], $0x4000  }
0xab: {  	s25 =	sadd.s32 $0x1, s25;
	[sflag:s14] =	ssyncset.done $0x0  }
0xac: {  	p0 =	sne.s32 s25, s8;
	[sflag:s14] =	ssyncadd.s32 $0xFFFFC000  }
.Ltmp2:
0xad: {  	[bflag:$0x0] =	sbarrier.arrive $0xFFFF;
	(pc) =	sbr.rel @p0 .LBB2_1-.Ltmp2, $4  }
0xae: {  	[hbm:s7], [sflag:s6] =	dma.local [spmem:s13], $0x2800  }
0xaf: {  	_ =	swait.ge [sflag:s14], $0x2800  }
0xb0: {  	[sflag:s14] =	ssyncset.done $0x0  }
0xb1: {  	[sflag:s14] =	ssyncadd.s32 $0xFFFFD800  }
0xb2: {  	_ =	sfence.sel $0x180000  }
0xb3: {  	[bflag:$0x0] =	sbarrier.arrive $0xFFFF  }
0xb4: {  	p0 =	sne.s32 s1, $0x0;
	_ =	strace $0x9000004A  }
0xb5: {  	s0 =	sadd.s32 @!p0 $0x100000, s0;
	[bflag:$0x2] =	sbarrier.arrive $0xFFFF  }
0xb6: {  	[sflag:s0] =	ssyncadd.tile.s32 @!p0 $0x1;
	_ =	shalt  }
.Lfunc_end2:
_tile_overlayer_lowered:
.L_overlay_start_2:
0xb7: {  	(tag) =	ssettag $0x2  }
0xb8: {  	s0 =	rddreg [dreg:$0x0];
	s2 =	stileid.u32  }
0xb9: {  	s1 =	rddreg [dreg:$0x1];
	p0 =	sne.s32 s2, $0x0  }
0xba: {  	s3 =	rddreg [dreg:$0x2];
	[bflag:$0x3] =	sbarrier.arrive $0xFFFF;
	s2 =	simm.s32 @!p0 $0x1C03  }
0xbb: {  	[timem:s3], [sflag:s2] =	dma.local @!p0 [hbm:s0], s1  }
0xbc: {  	s0 =	simm.s32 @!p0 $0x3  }
0xbd: {  	_ =	swait.ge @!p0 [sflag:s0], s1  }
0xbe: {  	s1 =	ssub.s32 @!p0 $0x0, s1;
	[sflag:s0] =	ssyncset.done @!p0 $0x0  }
0xbf: {  	[sflag:s0] =	ssyncadd.s32 @!p0 s1  }
0xc0: {  	[bflag:$0x3] =	sbarrier.arrive $0xFFFF  }
0xc1: {  	_ =	shalt  }

</sc_bundles>
